<compile_context>
chip_gen: v7x
topology: tpu7x:2x2x1
jax: 0.10.2.dev20260603
libtpu: 0.0.44.dev20260713+nightly
codegen_flags: <defaults>
</compile_context>

<pallas_src>
import functools
from math import sqrt

import jax
import jax.numpy as jnp
from jax import lax
from jax.experimental import pallas as pl
from jax.experimental.pallas import tpu as pltpu
from jax.experimental.pallas import tpu_sc as plsc

_N_CLASSES = 2
_THRESHOLD = 0.5
_NEG_POS_RATIO = 3
_ALPHA = 1.0
_SMOOTHING = 0.05
_N_BISECT = 24


def _loss_kernel(scores_ref, boxes_ref, labels_ref, priors_ref,
                 cn_ref, krep_ref, scal_ref, labo_ref, oepo_ref,
                 lab_s, *, B, P, Pp, M):
    g = pl.program_id(0)
    f32 = jnp.float32
    n_grp = B // M

    pcx = priors_ref[0:1, :]
    pcy = priors_ref[1:2, :]
    pw = priors_ref[2:3, :]
    ph = priors_ref[3:4, :]
    px1 = pcx - pw * 0.5
    py1 = pcy - ph * 0.5
    px2 = pcx + pw * 0.5
    py2 = pcy + ph * 0.5

    col1 = lax.broadcasted_iota(jnp.int32, (1, Pp), 1)
    valid_col = col1 < P

    bx = boxes_ref[0]
    x1 = bx[:, :, 0:1]
    y1 = bx[:, :, 1:2]
    x2 = bx[:, :, 2:3]
    y2 = bx[:, :, 3:4]
    lab_b = labels_ref[0]

    ix1 = jnp.maximum(x1, px1)
    iy1 = jnp.maximum(y1, py1)
    ix2 = jnp.minimum(x2, px2)
    iy2 = jnp.minimum(y2, py2)
    inter = jnp.maximum(ix2 - ix1, 0.0) * jnp.maximum(iy2 - iy1, 0.0)
    a1 = (x2 - x1) * (y2 - y1)
    a2 = (px2 - px1) * (py2 - py1)
    ov = inter / (a1 + a2 - inter + 1e-10)

    eio = lax.broadcasted_iota(jnp.int32, (M, 8, Pp), 1)
    cio = lax.broadcasted_iota(jnp.int32, (M, 8, Pp), 2)

    ofp = jnp.max(ov, axis=1, keepdims=True)
    oep = jnp.min(jnp.where(ov == ofp, eio, 8), axis=1, keepdims=True)
    ofe = jnp.max(ov, axis=2, keepdims=True)
    pfe = jnp.min(jnp.where(ov == ofe, cio, Pp), axis=2, keepdims=True)

    match = cio == pfe
    validi = (ofe > 0.0).astype(jnp.int32)
    key = jnp.where(match, eio + eio + validi, -1)
    kmax = jnp.max(key, axis=1, keepdims=True)
    force = (kmax >= 0) & ((kmax & 1) == 1)
    ofp = jnp.where(force, 1.0, ofp)
    oep = jnp.where(force, kmax >> 1, oep)

    oep2 = jnp.squeeze(oep, 1)
    b0 = (oep2 & 1) == 1
    b1 = (oep2 & 2) == 2
    b2 = (oep2 & 4) == 4

    def gath(arr):
        a = [jnp.squeeze(arr[:, e:e + 1, :], 2) for e in range(8)]
        t0 = jnp.where(b0, a[1], a[0])
        t1 = jnp.where(b0, a[3], a[2])
        t2 = jnp.where(b0, a[5], a[4])
        t3 = jnp.where(b0, a[7], a[6])
        u0 = jnp.where(b1, t1, t0)
        u1 = jnp.where(b1, t3, t2)
        return jnp.where(b2, u1, u0)

    label_fp = gath(lab_b)
    label_fp = jnp.where(jnp.squeeze(ofp, 1) < _THRESHOLD - 0.1,
                         0.0, label_fp)

    lab_s[pl.ds(g * M, M), :] = label_fp
    labo_ref[...] = label_fp
    oepo_ref[...] = oep2

    @pl.when(g == n_grp - 1)
    def _dense():
        lab = lab_s[...]
        pos = lab > 0.0
        posf = pos.astype(f32)
        n_pos_vec = jnp.sum(posf, axis=1, keepdims=True)
        n_pos_total = jnp.sum(posf)

        s0 = scores_ref[0]
        s1 = scores_ref[1]
        m = jnp.maximum(s0, s1)
        lse = m + jnp.log(jnp.exp(s0 - m) + jnp.exp(s1 - m))
        lp0 = s0 - lse
        lp1 = s1 - lse
        lp_t = jnp.where(lab > 0.0, lp1, lp0)
        eps_i = _SMOOTHING / (_N_CLASSES - 1)
        ce = -((1.0 - _SMOOTHING) * lp_t + eps_i * (lp0 + lp1 - lp_t))
        conf_pos_sum = jnp.sum(jnp.where(pos, ce, 0.0))
        cn = jnp.where(valid_col & ~pos, ce, 0.0)

        k = jnp.minimum(_NEG_POS_RATIO * n_pos_vec, float(P))
        cn_ref[...] = cn
        krep_ref[...] = jnp.broadcast_to(k.astype(jnp.int32), (B, 16))
        io = lax.broadcasted_iota(jnp.int32, (1, 128), 1)
        scal_ref[...] = (jnp.where(io == 0, conf_pos_sum, 0.0)
                         + jnp.where(io == 2, n_pos_total, 0.0))


def _loc_kernel(locs_ref, priors_ref, boxes_ref, lab_ref, oep_ref,
                out_ref, *, B, Pp):
    pcx = priors_ref[0:1, :]
    pcy = priors_ref[1:2, :]
    pw = priors_ref[2:3, :]
    ph = priors_ref[3:4, :]

    pos = lab_ref[...] > 0.0

    oep2 = oep_ref[...]
    b0 = (oep2 & 1) == 1
    b1 = (oep2 & 2) == 2
    b2 = (oep2 & 4) == 4
    bx = boxes_ref[...]

    def gath(arr):
        a = [jnp.squeeze(arr[:, e:e + 1, :], 2) for e in range(8)]
        t0 = jnp.where(b0, a[1], a[0])
        t1 = jnp.where(b0, a[3], a[2])
        t2 = jnp.where(b0, a[5], a[4])
        t3 = jnp.where(b0, a[7], a[6])
        u0 = jnp.where(b1, t1, t0)
        u1 = jnp.where(b1, t3, t2)
        return jnp.where(b2, u1, u0)

    ttx1 = gath(bx[:, :, 0:1])
    tty1 = gath(bx[:, :, 1:2])
    ttx2 = gath(bx[:, :, 2:3])
    tty2 = gath(bx[:, :, 3:4])
    gcx = locs_ref[0]
    gcy = locs_ref[1]
    gw = locs_ref[2]
    gh = locs_ref[3]
    cx = gcx * pw * 0.1 + pcx
    cy = gcy * ph * 0.1 + pcy
    w = jnp.exp(gw * 0.2) * pw
    h = jnp.exp(gh * 0.2) * ph
    dx1 = cx - w * 0.5
    dy1 = cy - h * 0.5
    dx2 = cx + w * 0.5
    dy2 = cy + h * 0.5

    lx1 = jnp.maximum(dx1, ttx1)
    ly1 = jnp.maximum(dy1, tty1)
    lx2 = jnp.minimum(dx2, ttx2)
    ly2 = jnp.minimum(dy2, tty2)
    inter_d = (jnp.maximum(lx2 - lx1, 0.0) * jnp.maximum(ly2 - ly1, 0.0))
    ap = jnp.maximum(dx2 - dx1, 0.0) * jnp.maximum(dy2 - dy1, 0.0)
    at = (ttx2 - ttx1) * (tty2 - tty1)
    iou = inter_d / (ap + at - inter_d + 1e-7)
    dcx = (dx1 + dx2) - (ttx1 + ttx2)
    dcy = (dy1 + dy2) - (tty1 + tty2)
    d2 = (dcx * dcx + dcy * dcy) * 0.25
    ex1 = jnp.minimum(dx1, ttx1)
    ey1 = jnp.minimum(dy1, tty1)
    ex2 = jnp.maximum(dx2, ttx2)
    ey2 = jnp.maximum(dy2, tty2)
    c2 = (ex2 - ex1) ** 2 + (ey2 - ey1) ** 2 + 1e-7
    per_box = 1.0 - iou + d2 / c2
    loc_sum = jnp.sum(jnp.where(pos, per_box, 0.0))
    io = lax.broadcasted_iota(jnp.int32, (1, 128), 1)
    out_ref[...] = jnp.where(io == 0, loc_sum, 0.0)


def _make_sc_miner(B, Pp):
    info = plsc.get_sparse_core_info()
    NC, L = info.num_cores, info.num_lanes
    U = 16
    NO = Pp // (U * L)
    mesh = plsc.VectorSubcoreMesh(core_axis_name="c", subcore_axis_name="s")
    f32, i32 = jnp.float32, jnp.int32

    @functools.partial(
        pl.kernel, mesh=mesh,
        out_type=jax.ShapeDtypeStruct((B, L), f32),
        scratch_types=[pltpu.VMEM((Pp,), f32),
                       pltpu.VMEM((Pp,), i32),
                       pltpu.VMEM((L,), i32),
                       pltpu.VMEM((L,), f32)],
        compiler_params=pltpu.CompilerParams(needs_layout_passes=False),
    )
    def miner(cn_hbm, krep_hbm, out_hbm, row_v, bits_v, k_v, res_v):
        w = lax.axis_index("s") * NC + lax.axis_index("c")

        @pl.when(w < B)
        def _():
            pltpu.sync_copy(cn_hbm.at[w], row_v)
            pltpu.sync_copy(krep_hbm.at[w], k_v)
            kk = k_v[...]
            zero_i = jnp.zeros((L,), i32)
            one_i = jnp.ones((L,), i32)
            zero_f = jnp.zeros((L,), f32)
            kk1 = jnp.maximum(kk, one_i)

            def reint(j, _):
                base = j * (U * L)
                for u in range(U):
                    o = base + u * L
                    bits_v[pl.ds(o, L)] = lax.bitcast_convert_type(
                        row_v[pl.ds(o, L)], i32)
                return 0

            lax.fori_loop(0, NO, reint, 0)

            def bis(_, carry):
                cur, bit = carry
                cand = cur | bit

                def cnt_body(j, accs):
                    base = j * (U * L)
                    accs = list(accs)
                    for u in range(U):
                        m = bits_v[pl.ds(base + u * L, L)] > cand
                        accs[u % 4] = (accs[u % 4]
                                       + plsc.all_reduce_population_count(m))
                    return tuple(accs)

                a = lax.fori_loop(0, NO, cnt_body, (zero_i,) * 4)
                cnt = a[0] + a[1] + a[2] + a[3]
                take = cnt >= kk1
                cur = jnp.where(take, cand, cur)
                return cur, lax.shift_right_logical(bit, one_i)

            cur, _ = lax.fori_loop(
                0, _N_BISECT, bis, (zero_i, jnp.full((L,), 1 << 30, i32)))
            hi = lax.bitcast_convert_type(cur + one_i, f32)

            def fin(j, carry):
                s, c = carry
                s = list(s)
                base = j * (U * L)
                for u in range(U):
                    o = base + u * L
                    m = bits_v[pl.ds(o, L)] > cur
                    s[u % 4] = s[u % 4] + jnp.where(m, row_v[pl.ds(o, L)],
                                                    zero_f)
                    c = c + plsc.all_reduce_population_count(m)
                return tuple(s), c

            s, c = lax.fori_loop(0, NO, fin, ((zero_f,) * 4, zero_i))
            s_lanes = s[0] + s[1] + s[2] + s[3]
            kf = kk.astype(f32)
            cf = c.astype(f32)
            inv_l = jnp.full((L,), 1.0 / L, f32)
            res_v[...] = s_lanes + (kf - cf) * hi * inv_l
            pltpu.sync_copy(res_v, out_hbm.at[w])

    return miner


@jax.jit
def kernel(odm_locs, odm_scores, boxes, labels, priors_cxcy):
    B, P, C = odm_scores.shape
    Pp = ((P + 255) // 256) * 256
    pad = Pp - P
    M = 8
    locs4 = jnp.pad(jnp.transpose(odm_locs, (2, 0, 1)),
                    ((0, 0), (0, 0), (0, pad)))
    scores2 = jnp.pad(jnp.transpose(odm_scores, (2, 0, 1)),
                      ((0, 0), (0, 0), (0, pad)))
    priors_t = jnp.pad(priors_cxcy.T, ((0, 0), (0, pad)))
    labels_f = labels.astype(jnp.float32)[..., None]

    body = functools.partial(_loss_kernel, B=B, P=P, Pp=Pp, M=M)
    bpp = lambda g: (g, 0)
    whole = lambda g: (0, 0)
    f32s = jax.ShapeDtypeStruct((B, Pp), jnp.float32)
    cn, krep, scal, labo, oepo = pl.pallas_call(
        body,
        grid=(B // M,),
        in_specs=[
            pl.BlockSpec((C, B, Pp), lambda g: (0, 0, 0)),
            pl.BlockSpec((1, M, 8, 4), lambda g: (g, 0, 0, 0)),
            pl.BlockSpec((1, M, 8, 1), lambda g: (g, 0, 0, 0)),
            pl.BlockSpec((4, Pp), whole),
        ],
        out_specs=[
            pl.BlockSpec((B, Pp), whole),
            pl.BlockSpec((B, 16), whole),
            pl.BlockSpec((1, 128), whole),
            pl.BlockSpec((M, Pp), bpp),
            pl.BlockSpec((M, Pp), bpp),
        ],
        out_shape=[
            f32s,
            jax.ShapeDtypeStruct((B, 16), jnp.int32),
            jax.ShapeDtypeStruct((1, 128), jnp.float32),
            f32s,
            jax.ShapeDtypeStruct((B, Pp), jnp.int32),
        ],
        scratch_shapes=[pltpu.VMEM((B, Pp), jnp.float32)],
        compiler_params=pltpu.CompilerParams(
            dimension_semantics=("arbitrary",)),
    )(scores2, boxes.reshape(B // M, M, 8, 4),
      labels_f.reshape(B // M, M, 8, 1), priors_t)

    hard = _make_sc_miner(B, Pp)(cn, krep)

    locscal = pl.pallas_call(
        functools.partial(_loc_kernel, B=B, Pp=Pp),
        grid=(1,),
        in_specs=[
            pl.BlockSpec((4, B, Pp), lambda g: (0, 0, 0)),
            pl.BlockSpec((4, Pp), whole),
            pl.BlockSpec((B, 8, 4), lambda g: (0, 0, 0)),
            pl.BlockSpec((B, Pp), whole),
            pl.BlockSpec((B, Pp), whole),
        ],
        out_specs=pl.BlockSpec((1, 128), whole),
        out_shape=jax.ShapeDtypeStruct((1, 128), jnp.float32),
        compiler_params=pltpu.CompilerParams(
            dimension_semantics=("arbitrary",)),
    )(locs4, priors_t, boxes, labo, oepo)

    hard_total = jnp.sum(hard)
    conf_pos_sum = scal[0, 0]
    loc_sum = locscal[0, 0]
    n_pos_total = scal[0, 2]
    conf_loss = (hard_total + conf_pos_sum) / n_pos_total
    loc_loss = loc_sum / jnp.maximum(n_pos_total, 1.0)
    return conf_loss + _ALPHA * loc_loss

# --- scband reference (transcript-rebuilt; emitter-appended) ---
"""Pipeline reference for scband-dark-scratch-detector-loss-9148280340496 (READ-ONLY COPY).

The authoritative reference and input builder live on the scoring server;
editing this copy changes nothing except your own understanding.
"""

import jax, jax.numpy as jnp
import numpy as np
from math import sqrt

N_CLASSES = 2
THRESHOLD = 0.5
NEG_POS_RATIO = 3
ALPHA = 1.0
SMOOTHING = 0.05


def make_priors_cxcy():
    fmaps = [40, 20, 10, 5]
    scales = [0.1, 0.25, 0.45, 0.7]
    ars = [1.0, 2.0, 0.5, 3.0]
    priors = []
    for f, s in zip(fmaps, scales):
        for i in range(f):
            for j in range(f):
                cx = (j + 0.5) / f
                cy = (i + 0.5) / f
                for ar in ars:
                    priors.append([cx, cy, s * sqrt(ar), s / sqrt(ar)])
    return jnp.clip(jnp.asarray(np.array(priors, dtype=np.float32)), 0.0, 1.0)


def cxcy_to_xy(cxcy):
    return jnp.concatenate([cxcy[..., :2] - cxcy[..., 2:] / 2,
                            cxcy[..., :2] + cxcy[..., 2:] / 2], axis=-1)


def gcxgcy_to_cxcy(gcxgcy, priors_cxcy):
    return jnp.concatenate([
        gcxgcy[..., :2] * priors_cxcy[..., 2:] / 10.0 + priors_cxcy[..., :2],
        jnp.exp(gcxgcy[..., 2:] / 5.0) * priors_cxcy[..., 2:]], axis=-1)


def find_jaccard_overlap(set1, set2):
    lt = jnp.maximum(set1[:, None, :2], set2[None, :, :2])
    rb = jnp.minimum(set1[:, None, 2:], set2[None, :, 2:])
    wh = jnp.clip(rb - lt, 0.0, None)
    inter = wh[..., 0] * wh[..., 1]
    a1 = (set1[:, 2] - set1[:, 0]) * (set1[:, 3] - set1[:, 1])
    a2 = (set2[:, 2] - set2[:, 0]) * (set2[:, 3] - set2[:, 1])
    union = a1[:, None] + a2[None, :] - inter
    return inter / (union + 1e-10)


def diou_loss_per_box(pred, target):
    lt = jnp.maximum(pred[..., :2], target[..., :2])
    rb = jnp.minimum(pred[..., 2:], target[..., 2:])
    wh = jnp.clip(rb - lt, 0.0, None)
    inter = wh[..., 0] * wh[..., 1]
    ap = jnp.clip(pred[..., 2] - pred[..., 0], 0.0, None) * jnp.clip(pred[..., 3] - pred[..., 1], 0.0, None)
    at = (target[..., 2] - target[..., 0]) * (target[..., 3] - target[..., 1])
    union = ap + at - inter
    iou = inter / (union + 1e-7)
    cp = (pred[..., :2] + pred[..., 2:]) / 2.0
    ct = (target[..., :2] + target[..., 2:]) / 2.0
    d2 = jnp.sum((cp - ct) ** 2, axis=-1)
    elt = jnp.minimum(pred[..., :2], target[..., :2])
    erb = jnp.maximum(pred[..., 2:], target[..., 2:])
    c2 = jnp.sum((erb - elt) ** 2, axis=-1) + 1e-7
    return 1.0 - iou + d2 / c2


def label_smoothing_ce(scores, targets, n_classes, smoothing):
    lp = jax.nn.log_softmax(scores, axis=-1)
    lp_t = jnp.take_along_axis(lp, targets[..., None], axis=-1)[..., 0]
    lp_sum = lp.sum(axis=-1)
    eps_i = smoothing / (n_classes - 1)
    return -((1.0 - smoothing) * lp_t + eps_i * (lp_sum - lp_t))


def match_one(boxes_i, labels_i, priors_xy):
    n_obj = boxes_i.shape[0]
    overlap = find_jaccard_overlap(boxes_i, priors_xy)  # [n_obj, P]
    ofp = overlap.max(axis=0)
    oep = overlap.argmax(axis=0)
    ofe = overlap.max(axis=1)
    pfe = overlap.argmax(axis=1)
    valid = ofe > 0
    ofp = ofp.at[pfe].set(jnp.where(valid, 1.0, ofp[pfe]))
    oep = oep.at[pfe].set(jnp.where(valid, jnp.arange(n_obj, dtype=oep.dtype), oep[pfe]))
    label_fp = labels_i[oep]
    label_fp = jnp.where(ofp < THRESHOLD - 0.1, 0, label_fp)
    true_locs = boxes_i[oep]
    return label_fp, true_locs


def _forward(odm_locs, odm_scores, boxes, labels, priors_cxcy):
    priors_xy = cxcy_to_xy(priors_cxcy)
    B, P, C = odm_scores.shape
    true_classes, true_locs = jax.vmap(match_one, in_axes=(0, 0, None))(boxes, labels, priors_xy)
    decoded = cxcy_to_xy(gcxgcy_to_cxcy(odm_locs, priors_cxcy[None, :, :]))
    pos = true_classes > 0
    pos_f = pos.astype(jnp.float32)
    n_pos_total = pos_f.sum()
    per_box_loc = diou_loss_per_box(decoded, true_locs)  # [B, P]
    loc_loss = jnp.sum(per_box_loc * pos_f) / jnp.maximum(n_pos_total, 1.0)
    conf_all = label_smoothing_ce(odm_scores.reshape(-1, C), true_classes.reshape(-1), C, SMOOTHING).reshape(B, P)
    conf_pos_sum = jnp.sum(conf_all * pos_f)
    conf_neg = jnp.where(pos, 0.0, conf_all)
    conf_neg_sorted = -jnp.sort(-conf_neg, axis=-1)  # descending
    n_pos = pos.sum(axis=1)
    n_hard = NEG_POS_RATIO * n_pos
    ranks = jnp.arange(P)[None, :]
    hard_mask = (ranks < n_hard[:, None]).astype(jnp.float32)
    conf_hard_neg_sum = jnp.sum(conf_neg_sorted * hard_mask)
    conf_loss = (conf_hard_neg_sum + conf_pos_sum) / n_pos_total
    return conf_loss + ALPHA * loc_loss


def setup_inputs(seed: int = 0) -> dict:
    key = jax.random.key(seed)
    k1, k2, k3 = jax.random.split(key, 3)
    B, P, n_obj = 32, 8500, 8
    odm_locs = jax.random.normal(k1, (B, P, 4), dtype=jnp.float32)
    odm_scores = jax.random.normal(k2, (B, P, N_CLASSES), dtype=jnp.float32)
    kc, kw = jax.random.split(k3)
    cxy = jax.random.uniform(kc, (B, n_obj, 2), minval=0.2, maxval=0.8, dtype=jnp.float32)
    wh = jax.random.uniform(kw, (B, n_obj, 2), minval=0.05, maxval=0.3, dtype=jnp.float32)
    boxes = jnp.clip(jnp.concatenate([cxy - wh / 2.0, cxy + wh / 2.0], axis=-1), 0.0, 1.0)
    labels = jnp.ones((B, n_obj), dtype=jnp.int32)
    priors_cxcy = make_priors_cxcy()
    return {"odm_locs": odm_locs, "odm_scores": odm_scores, "boxes": boxes, "labels": labels, "priors_cxcy": priors_cxcy}


def reference(odm_locs, odm_scores, boxes, labels, priors_cxcy):
    return _forward(odm_locs, odm_scores, boxes, labels, priors_cxcy)

if __name__ == "__main__":
    import jax
    _d = setup_inputs()
    print(jax.jit(kernel)(*tuple(_d.values())))

</pallas_src>

<mosaic_0001>
#map = affine_map<(d0, d1) -> (0, 0)>
module attributes {stable_mosaic.version = 14 : i64} {
  func.func @miner(%arg0: i32, %arg1: i32, %arg2: memref<32x8704xf32, #tpu.memory_space<hbm>>, %arg3: memref<32x16xi32, #tpu.memory_space<hbm>>, %arg4: memref<32x16xf32, #tpu.memory_space<hbm>>, %arg5: memref<8704xf32, #tpu.memory_space<vmem>>, %arg6: memref<8704xi32, #tpu.memory_space<vmem>>, %arg7: memref<16xi32, #tpu.memory_space<vmem>>, %arg8: memref<16xf32, #tpu.memory_space<vmem>>) attributes {dimension_semantics = [#tpu.dimension_semantics<core_parallel>, #tpu.dimension_semantics<subcore_parallel>], iteration_bounds = array<i64: 2, 16>, scalar_prefetch = 0 : i64, scratch_operands = 4 : i64, tpu.core_type = #tpu.core_type<sc_vector_subcore>, window_params = [{transform_indices = #map}, {transform_indices = #map}, {transform_indices = #map}]} {
    %mul3A = arith.constant 2 : i32
    %mul3A_0 = arith.muli %arg1, %mul3A : i32
    %add3A = arith.addi %mul3A_0, %arg0 : i32
    %lt3A = arith.constant 32 : i32
    %lt3A_1 = arith.cmpi slt, %add3A, %lt3A : i32
    %convert_element_type3A = arith.extui %lt3A_1 : i1 to i32
    %cond3A = arith.constant 0 : i32
    %cond3A_2 = arith.cmpi ne, %convert_element_type3A, %cond3A : i32
    scf.if %cond3A_2 {
      "tpu.region"() ({
        %run_scoped3A = tpu.sem_alloc : memref<!tpu.dma_semaphore, #tpu.memory_space<semaphore_mem>>
        %dma_start3A = arith.constant 0 : i32
        %dma_start3A_41 = tpu.memref_slice %arg2[%add3A, %dma_start3A] : memref<32x8704xf32, #tpu.memory_space<hbm>> -> memref<1x8704xf32, #tpu.memory_space<hbm>>
        %dma_start3A_42 = tpu.memref_squeeze %dma_start3A_41 : memref<1x8704xf32, #tpu.memory_space<hbm>> -> memref<8704xf32, #tpu.memory_space<hbm>>
        %dma_start3A_43 = arith.constant 0 : i32
        %dma_start3A_44 = tpu.memref_slice %arg2[%add3A, %dma_start3A_43] : memref<32x8704xf32, #tpu.memory_space<hbm>> -> memref<1x8704xf32, #tpu.memory_space<hbm>>
        %dma_start3A_45 = tpu.memref_squeeze %dma_start3A_44 : memref<1x8704xf32, #tpu.memory_space<hbm>> -> memref<8704xf32, #tpu.memory_space<hbm>>
        tpu.enqueue_dma source(%dma_start3A_45 : memref<8704xf32, #tpu.memory_space<hbm>>) target(%arg5 : memref<8704xf32, #tpu.memory_space<vmem>>) target_semaphore(%run_scoped3A : memref<!tpu.dma_semaphore, #tpu.memory_space<semaphore_mem>>)
        %dma_wait3A = arith.constant 0 : i32
        %dma_wait3A_46 = tpu.memref_slice %arg2[%add3A, %dma_wait3A] : memref<32x8704xf32, #tpu.memory_space<hbm>> -> memref<1x8704xf32, #tpu.memory_space<hbm>>
        %dma_wait3A_47 = tpu.memref_squeeze %dma_wait3A_46 : memref<1x8704xf32, #tpu.memory_space<hbm>> -> memref<8704xf32, #tpu.memory_space<hbm>>
        %dma_wait3A_48 = arith.constant 0 : i32
        %dma_wait3A_49 = tpu.memref_slice %arg2[%add3A, %dma_wait3A_48] : memref<32x8704xf32, #tpu.memory_space<hbm>> -> memref<1x8704xf32, #tpu.memory_space<hbm>>
        %dma_wait3A_50 = tpu.memref_squeeze %dma_wait3A_49 : memref<1x8704xf32, #tpu.memory_space<hbm>> -> memref<8704xf32, #tpu.memory_space<hbm>>
        tpu.wait_dma2 semaphore(%run_scoped3A : memref<!tpu.dma_semaphore, #tpu.memory_space<semaphore_mem>>) src(%dma_wait3A_50 : memref<8704xf32, #tpu.memory_space<hbm>>) dst(%arg5 : memref<8704xf32, #tpu.memory_space<vmem>>)
        tpu.yield
      }) : () -> ()
      "tpu.region"() ({
        %run_scoped3A = tpu.sem_alloc : memref<!tpu.dma_semaphore, #tpu.memory_space<semaphore_mem>>
        %dma_start3A = arith.constant 0 : i32
        %dma_start3A_41 = tpu.memref_slice %arg3[%add3A, %dma_start3A] : memref<32x16xi32, #tpu.memory_space<hbm>> -> memref<1x16xi32, #tpu.memory_space<hbm>>
        %dma_start3A_42 = tpu.memref_squeeze %dma_start3A_41 : memref<1x16xi32, #tpu.memory_space<hbm>> -> memref<16xi32, #tpu.memory_space<hbm>>
        %dma_start3A_43 = arith.constant 0 : i32
        %dma_start3A_44 = tpu.memref_slice %arg3[%add3A, %dma_start3A_43] : memref<32x16xi32, #tpu.memory_space<hbm>> -> memref<1x16xi32, #tpu.memory_space<hbm>>
        %dma_start3A_45 = tpu.memref_squeeze %dma_start3A_44 : memref<1x16xi32, #tpu.memory_space<hbm>> -> memref<16xi32, #tpu.memory_space<hbm>>
        tpu.enqueue_dma source(%dma_start3A_45 : memref<16xi32, #tpu.memory_space<hbm>>) target(%arg7 : memref<16xi32, #tpu.memory_space<vmem>>) target_semaphore(%run_scoped3A : memref<!tpu.dma_semaphore, #tpu.memory_space<semaphore_mem>>)
        %dma_wait3A = arith.constant 0 : i32
        %dma_wait3A_46 = tpu.memref_slice %arg3[%add3A, %dma_wait3A] : memref<32x16xi32, #tpu.memory_space<hbm>> -> memref<1x16xi32, #tpu.memory_space<hbm>>
        %dma_wait3A_47 = tpu.memref_squeeze %dma_wait3A_46 : memref<1x16xi32, #tpu.memory_space<hbm>> -> memref<16xi32, #tpu.memory_space<hbm>>
        %dma_wait3A_48 = arith.constant 0 : i32
        %dma_wait3A_49 = tpu.memref_slice %arg3[%add3A, %dma_wait3A_48] : memref<32x16xi32, #tpu.memory_space<hbm>> -> memref<1x16xi32, #tpu.memory_space<hbm>>
        %dma_wait3A_50 = tpu.memref_squeeze %dma_wait3A_49 : memref<1x16xi32, #tpu.memory_space<hbm>> -> memref<16xi32, #tpu.memory_space<hbm>>
        tpu.wait_dma2 semaphore(%run_scoped3A : memref<!tpu.dma_semaphore, #tpu.memory_space<semaphore_mem>>) src(%dma_wait3A_50 : memref<16xi32, #tpu.memory_space<hbm>>) dst(%arg7 : memref<16xi32, #tpu.memory_space<vmem>>)
        tpu.yield
      }) : () -> ()
      %get3A = arith.constant 0 : index
      %get3A_3 = tpu.vector_load %arg7[%get3A] {strides = array<i32>} : memref<16xi32, #tpu.memory_space<vmem>>, vector<16xi32>,
      %broadcast_in_dim3A = arith.constant 0 : i32
      %broadcast_in_dim3A_4 = vector.broadcast %broadcast_in_dim3A : i32 to vector<16xi32>
      %broadcast_in_dim3A_5 = arith.constant 1 : i32
      %broadcast_in_dim3A_6 = vector.broadcast %broadcast_in_dim3A_5 : i32 to vector<16xi32>
      %broadcast_in_dim3A_7 = arith.constant 0.000000e+00 : f32
      %broadcast_in_dim3A_8 = vector.broadcast %broadcast_in_dim3A_7 : f32 to vector<16xf32>
      %max3A = arith.maxsi %get3A_3, %broadcast_in_dim3A_6 : vector<16xi32>
      %scan3A = arith.constant 0 : i32
      %scan3A_9 = arith.constant 0 : i32
      %scan3A_10 = arith.constant 34 : i32
      %scan3A_11 = arith.addi %scan3A_9, %scan3A_10 : i32
      %scan3A_12 = arith.constant 1 : i32
      %scan3A_13 = scf.for %scan3A_41 = %scan3A_9 to %scan3A_11 step %scan3A_12 iter_args(%scan3A_42 = %scan3A) -> (i32)  : i32 {
        %mul3A_43 = arith.constant 256 : i32
        %mul3A_44 = arith.muli %scan3A_41, %mul3A_43 : i32
        %add3A_45 = arith.constant 0 : i32
        %add3A_46 = arith.addi %mul3A_44, %add3A_45 : i32
        %get3A_47 = arith.index_cast %add3A_46 : i32 to index
        %get3A_48 = tpu.vector_load %arg5[%get3A_47] {strides = array<i32>} : memref<8704xf32, #tpu.memory_space<vmem>>, vector<16xf32>,
        %bitcast_convert_type3A_49 = tpu.bitcast %get3A_48 : vector<16xf32> -> vector<16xi32>
        %swap3A_50 = arith.index_cast %add3A_46 : i32 to index
        %swap3A_51 = tpu.vector_load %arg6[%swap3A_50] {strides = array<i32>} : memref<8704xi32, #tpu.memory_space<vmem>>, vector<16xi32>,
        tpu.vector_store %arg6[%swap3A_50], %bitcast_convert_type3A_49 {strides = array<i32>} : memref<8704xi32, #tpu.memory_space<vmem>>, vector<16xi32>,
        %add3A_52 = arith.constant 16 : i32
        %add3A_53 = arith.addi %mul3A_44, %add3A_52 : i32
        %get3A_54 = arith.index_cast %add3A_53 : i32 to index
        %get3A_55 = tpu.vector_load %arg5[%get3A_54] {strides = array<i32>} : memref<8704xf32, #tpu.memory_space<vmem>>, vector<16xf32>,
        %bitcast_convert_type3A_56 = tpu.bitcast %get3A_55 : vector<16xf32> -> vector<16xi32>
        %swap3A_57 = arith.index_cast %add3A_53 : i32 to index
        %swap3A_58 = tpu.vector_load %arg6[%swap3A_57] {strides = array<i32>} : memref<8704xi32, #tpu.memory_space<vmem>>, vector<16xi32>,
        tpu.vector_store %arg6[%swap3A_57], %bitcast_convert_type3A_56 {strides = array<i32>} : memref<8704xi32, #tpu.memory_space<vmem>>, vector<16xi32>,
        %add3A_59 = arith.constant 32 : i32
        %add3A_60 = arith.addi %mul3A_44, %add3A_59 : i32
        %get3A_61 = arith.index_cast %add3A_60 : i32 to index
        %get3A_62 = tpu.vector_load %arg5[%get3A_61] {strides = array<i32>} : memref<8704xf32, #tpu.memory_space<vmem>>, vector<16xf32>,
        %bitcast_convert_type3A_63 = tpu.bitcast %get3A_62 : vector<16xf32> -> vector<16xi32>
        %swap3A_64 = arith.index_cast %add3A_60 : i32 to index
        %swap3A_65 = tpu.vector_load %arg6[%swap3A_64] {strides = array<i32>} : memref<8704xi32, #tpu.memory_space<vmem>>, vector<16xi32>,
        tpu.vector_store %arg6[%swap3A_64], %bitcast_convert_type3A_63 {strides = array<i32>} : memref<8704xi32, #tpu.memory_space<vmem>>, vector<16xi32>,
        %add3A_66 = arith.constant 48 : i32
        %add3A_67 = arith.addi %mul3A_44, %add3A_66 : i32
        %get3A_68 = arith.index_cast %add3A_67 : i32 to index
        %get3A_69 = tpu.vector_load %arg5[%get3A_68] {strides = array<i32>} : memref<8704xf32, #tpu.memory_space<vmem>>, vector<16xf32>,
        %bitcast_convert_type3A_70 = tpu.bitcast %get3A_69 : vector<16xf32> -> vector<16xi32>
        %swap3A_71 = arith.index_cast %add3A_67 : i32 to index
        %swap3A_72 = tpu.vector_load %arg6[%swap3A_71] {strides = array<i32>} : memref<8704xi32, #tpu.memory_space<vmem>>, vector<16xi32>,
        tpu.vector_store %arg6[%swap3A_71], %bitcast_convert_type3A_70 {strides = array<i32>} : memref<8704xi32, #tpu.memory_space<vmem>>, vector<16xi32>,
        %add3A_73 = arith.constant 64 : i32
        %add3A_74 = arith.addi %mul3A_44, %add3A_73 : i32
        %get3A_75 = arith.index_cast %add3A_74 : i32 to index
        %get3A_76 = tpu.vector_load %arg5[%get3A_75] {strides = array<i32>} : memref<8704xf32, #tpu.memory_space<vmem>>, vector<16xf32>,
        %bitcast_convert_type3A_77 = tpu.bitcast %get3A_76 : vector<16xf32> -> vector<16xi32>
        %swap3A_78 = arith.index_cast %add3A_74 : i32 to index
        %swap3A_79 = tpu.vector_load %arg6[%swap3A_78] {strides = array<i32>} : memref<8704xi32, #tpu.memory_space<vmem>>, vector<16xi32>,
        tpu.vector_store %arg6[%swap3A_78], %bitcast_convert_type3A_77 {strides = array<i32>} : memref<8704xi32, #tpu.memory_space<vmem>>, vector<16xi32>,
        %add3A_80 = arith.constant 80 : i32
        %add3A_81 = arith.addi %mul3A_44, %add3A_80 : i32
        %get3A_82 = arith.index_cast %add3A_81 : i32 to index
        %get3A_83 = tpu.vector_load %arg5[%get3A_82] {strides = array<i32>} : memref<8704xf32, #tpu.memory_space<vmem>>, vector<16xf32>,
        %bitcast_convert_type3A_84 = tpu.bitcast %get3A_83 : vector<16xf32> -> vector<16xi32>
        %swap3A_85 = arith.index_cast %add3A_81 : i32 to index
        %swap3A_86 = tpu.vector_load %arg6[%swap3A_85] {strides = array<i32>} : memref<8704xi32, #tpu.memory_space<vmem>>, vector<16xi32>,
        tpu.vector_store %arg6[%swap3A_85], %bitcast_convert_type3A_84 {strides = array<i32>} : memref<8704xi32, #tpu.memory_space<vmem>>, vector<16xi32>,
        %add3A_87 = arith.constant 96 : i32
        %add3A_88 = arith.addi %mul3A_44, %add3A_87 : i32
        %get3A_89 = arith.index_cast %add3A_88 : i32 to index
        %get3A_90 = tpu.vector_load %arg5[%get3A_89] {strides = array<i32>} : memref<8704xf32, #tpu.memory_space<vmem>>, vector<16xf32>,
        %bitcast_convert_type3A_91 = tpu.bitcast %get3A_90 : vector<16xf32> -> vector<16xi32>
        %swap3A_92 = arith.index_cast %add3A_88 : i32 to index
        %swap3A_93 = tpu.vector_load %arg6[%swap3A_92] {strides = array<i32>} : memref<8704xi32, #tpu.memory_space<vmem>>, vector<16xi32>,
        tpu.vector_store %arg6[%swap3A_92], %bitcast_convert_type3A_91 {strides = array<i32>} : memref<8704xi32, #tpu.memory_space<vmem>>, vector<16xi32>,
        %add3A_94 = arith.constant 112 : i32
        %add3A_95 = arith.addi %mul3A_44, %add3A_94 : i32
        %get3A_96 = arith.index_cast %add3A_95 : i32 to index
        %get3A_97 = tpu.vector_load %arg5[%get3A_96] {strides = array<i32>} : memref<8704xf32, #tpu.memory_space<vmem>>, vector<16xf32>,
        %bitcast_convert_type3A_98 = tpu.bitcast %get3A_97 : vector<16xf32> -> vector<16xi32>
        %swap3A_99 = arith.index_cast %add3A_95 : i32 to index
        %swap3A_100 = tpu.vector_load %arg6[%swap3A_99] {strides = array<i32>} : memref<8704xi32, #tpu.memory_space<vmem>>, vector<16xi32>,
        tpu.vector_store %arg6[%swap3A_99], %bitcast_convert_type3A_98 {strides = array<i32>} : memref<8704xi32, #tpu.memory_space<vmem>>, vector<16xi32>,
        %add3A_101 = arith.constant 128 : i32
        %add3A_102 = arith.addi %mul3A_44, %add3A_101 : i32
        %get3A_103 = arith.index_cast %add3A_102 : i32 to index
        %get3A_104 = tpu.vector_load %arg5[%get3A_103] {strides = array<i32>} : memref<8704xf32, #tpu.memory_space<vmem>>, vector<16xf32>,
        %bitcast_convert_type3A_105 = tpu.bitcast %get3A_104 : vector<16xf32> -> vector<16xi32>
        %swap3A_106 = arith.index_cast %add3A_102 : i32 to index
        %swap3A_107 = tpu.vector_load %arg6[%swap3A_106] {strides = array<i32>} : memref<8704xi32, #tpu.memory_space<vmem>>, vector<16xi32>,
        tpu.vector_store %arg6[%swap3A_106], %bitcast_convert_type3A_105 {strides = array<i32>} : memref<8704xi32, #tpu.memory_space<vmem>>, vector<16xi32>,
        %add3A_108 = arith.constant 144 : i32
        %add3A_109 = arith.addi %mul3A_44, %add3A_108 : i32
        %get3A_110 = arith.index_cast %add3A_109 : i32 to index
        %get3A_111 = tpu.vector_load %arg5[%get3A_110] {strides = array<i32>} : memref<8704xf32, #tpu.memory_space<vmem>>, vector<16xf32>,
        %bitcast_convert_type3A_112 = tpu.bitcast %get3A_111 : vector<16xf32> -> vector<16xi32>
        %swap3A_113 = arith.index_cast %add3A_109 : i32 to index
        %swap3A_114 = tpu.vector_load %arg6[%swap3A_113] {strides = array<i32>} : memref<8704xi32, #tpu.memory_space<vmem>>, vector<16xi32>,
        tpu.vector_store %arg6[%swap3A_113], %bitcast_convert_type3A_112 {strides = array<i32>} : memref<8704xi32, #tpu.memory_space<vmem>>, vector<16xi32>,
        %add3A_115 = arith.constant 160 : i32
        %add3A_116 = arith.addi %mul3A_44, %add3A_115 : i32
        %get3A_117 = arith.index_cast %add3A_116 : i32 to index
        %get3A_118 = tpu.vector_load %arg5[%get3A_117] {strides = array<i32>} : memref<8704xf32, #tpu.memory_space<vmem>>, vector<16xf32>,
        %bitcast_convert_type3A_119 = tpu.bitcast %get3A_118 : vector<16xf32> -> vector<16xi32>
        %swap3A_120 = arith.index_cast %add3A_116 : i32 to index
        %swap3A_121 = tpu.vector_load %arg6[%swap3A_120] {strides = array<i32>} : memref<8704xi32, #tpu.memory_space<vmem>>, vector<16xi32>,
        tpu.vector_store %arg6[%swap3A_120], %bitcast_convert_type3A_119 {strides = array<i32>} : memref<8704xi32, #tpu.memory_space<vmem>>, vector<16xi32>,
        %add3A_122 = arith.constant 176 : i32
        %add3A_123 = arith.addi %mul3A_44, %add3A_122 : i32
        %get3A_124 = arith.index_cast %add3A_123 : i32 to index
        %get3A_125 = tpu.vector_load %arg5[%get3A_124] {strides = array<i32>} : memref<8704xf32, #tpu.memory_space<vmem>>, vector<16xf32>,
        %bitcast_convert_type3A_126 = tpu.bitcast %get3A_125 : vector<16xf32> -> vector<16xi32>
        %swap3A_127 = arith.index_cast %add3A_123 : i32 to index
        %swap3A_128 = tpu.vector_load %arg6[%swap3A_127] {strides = array<i32>} : memref<8704xi32, #tpu.memory_space<vmem>>, vector<16xi32>,
        tpu.vector_store %arg6[%swap3A_127], %bitcast_convert_type3A_126 {strides = array<i32>} : memref<8704xi32, #tpu.memory_space<vmem>>, vector<16xi32>,
        %add3A_129 = arith.constant 192 : i32
        %add3A_130 = arith.addi %mul3A_44, %add3A_129 : i32
        %get3A_131 = arith.index_cast %add3A_130 : i32 to index
        %get3A_132 = tpu.vector_load %arg5[%get3A_131] {strides = array<i32>} : memref<8704xf32, #tpu.memory_space<vmem>>, vector<16xf32>,
        %bitcast_convert_type3A_133 = tpu.bitcast %get3A_132 : vector<16xf32> -> vector<16xi32>
        %swap3A_134 = arith.index_cast %add3A_130 : i32 to index
        %swap3A_135 = tpu.vector_load %arg6[%swap3A_134] {strides = array<i32>} : memref<8704xi32, #tpu.memory_space<vmem>>, vector<16xi32>,
        tpu.vector_store %arg6[%swap3A_134], %bitcast_convert_type3A_133 {strides = array<i32>} : memref<8704xi32, #tpu.memory_space<vmem>>, vector<16xi32>,
        %add3A_136 = arith.constant 208 : i32
        %add3A_137 = arith.addi %mul3A_44, %add3A_136 : i32
        %get3A_138 = arith.index_cast %add3A_137 : i32 to index
        %get3A_139 = tpu.vector_load %arg5[%get3A_138] {strides = array<i32>} : memref<8704xf32, #tpu.memory_space<vmem>>, vector<16xf32>,
        %bitcast_convert_type3A_140 = tpu.bitcast %get3A_139 : vector<16xf32> -> vector<16xi32>
        %swap3A_141 = arith.index_cast %add3A_137 : i32 to index
        %swap3A_142 = tpu.vector_load %arg6[%swap3A_141] {strides = array<i32>} : memref<8704xi32, #tpu.memory_space<vmem>>, vector<16xi32>,
        tpu.vector_store %arg6[%swap3A_141], %bitcast_convert_type3A_140 {strides = array<i32>} : memref<8704xi32, #tpu.memory_space<vmem>>, vector<16xi32>,
        %add3A_143 = arith.constant 224 : i32
        %add3A_144 = arith.addi %mul3A_44, %add3A_143 : i32
        %get3A_145 = arith.index_cast %add3A_144 : i32 to index
        %get3A_146 = tpu.vector_load %arg5[%get3A_145] {strides = array<i32>} : memref<8704xf32, #tpu.memory_space<vmem>>, vector<16xf32>,
        %bitcast_convert_type3A_147 = tpu.bitcast %get3A_146 : vector<16xf32> -> vector<16xi32>
        %swap3A_148 = arith.index_cast %add3A_144 : i32 to index
        %swap3A_149 = tpu.vector_load %arg6[%swap3A_148] {strides = array<i32>} : memref<8704xi32, #tpu.memory_space<vmem>>, vector<16xi32>,
        tpu.vector_store %arg6[%swap3A_148], %bitcast_convert_type3A_147 {strides = array<i32>} : memref<8704xi32, #tpu.memory_space<vmem>>, vector<16xi32>,
        %add3A_150 = arith.constant 240 : i32
        %add3A_151 = arith.addi %mul3A_44, %add3A_150 : i32
        %get3A_152 = arith.index_cast %add3A_151 : i32 to index
        %get3A_153 = tpu.vector_load %arg5[%get3A_152] {strides = array<i32>} : memref<8704xf32, #tpu.memory_space<vmem>>, vector<16xf32>,
        %bitcast_convert_type3A_154 = tpu.bitcast %get3A_153 : vector<16xf32> -> vector<16xi32>
        %swap3A_155 = arith.index_cast %add3A_151 : i32 to index
        %swap3A_156 = tpu.vector_load %arg6[%swap3A_155] {strides = array<i32>} : memref<8704xi32, #tpu.memory_space<vmem>>, vector<16xi32>,
        tpu.vector_store %arg6[%swap3A_155], %bitcast_convert_type3A_154 {strides = array<i32>} : memref<8704xi32, #tpu.memory_space<vmem>>, vector<16xi32>,
        %scan3A_157 = arith.constant 0 : i32
        scf.yield %scan3A_157 : i32
      }
      %scan3A_14 = arith.constant 34 : i32
      %broadcast_in_dim3A_15 = arith.constant 1073741824 : i32
      %broadcast_in_dim3A_16 = vector.broadcast %broadcast_in_dim3A_15 : i32 to vector<16xi32>
      %scan3A_17 = arith.constant 0 : i32
      %scan3A_18 = arith.constant 24 : i32
      %scan3A_19 = arith.addi %scan3A_17, %scan3A_18 : i32
      %scan3A_20 = arith.constant 1 : i32
      %scan3A_21:2 = scf.for %scan3A_41 = %scan3A_17 to %scan3A_19 step %scan3A_20 iter_args(%scan3A_42 = %broadcast_in_dim3A_4, %scan3A_43 = %broadcast_in_dim3A_16) -> (vector<16xi32>, vector<16xi32>)  : i32 {
        %or3A = arith.ori %scan3A_42, %scan3A_43 : vector<16xi32>
        %scan3A_44 = arith.constant 0 : i32
        %scan3A_45 = arith.constant 34 : i32
        %scan3A_46 = arith.addi %scan3A_44, %scan3A_45 : i32
        %scan3A_47 = arith.constant 1 : i32
        %scan3A_48:4 = scf.for %scan3A_53 = %scan3A_44 to %scan3A_46 step %scan3A_47 iter_args(%scan3A_54 = %broadcast_in_dim3A_4, %scan3A_55 = %broadcast_in_dim3A_4, %scan3A_56 = %broadcast_in_dim3A_4, %scan3A_57 = %broadcast_in_dim3A_4) -> (vector<16xi32>, vector<16xi32>, vector<16xi32>, vector<16xi32>)  : i32 {
          %mul3A_58 = arith.constant 256 : i32
          %mul3A_59 = arith.muli %scan3A_53, %mul3A_58 : i32
          %add3A_60 = arith.constant 0 : i32
          %add3A_61 = arith.addi %mul3A_59, %add3A_60 : i32
          %get3A_62 = arith.index_cast %add3A_61 : i32 to index
          %get3A_63 = tpu.vector_load %arg6[%get3A_62] {strides = array<i32>} : memref<8704xi32, #tpu.memory_space<vmem>>, vector<16xi32>,
          %gt3A = arith.cmpi sgt, %get3A_63, %or3A : vector<16xi32>
          %all_reduce_population_count3A = tpu.all_reduce %gt3A {dim = 0 : i64, kind = #tpu.reduction_kind<sum>} : vector<16xi1> -> vector<16xi32>
          %add3A_64 = arith.addi %scan3A_54, %all_reduce_population_count3A : vector<16xi32>
          %add3A_65 = arith.constant 16 : i32
          %add3A_66 = arith.addi %mul3A_59, %add3A_65 : i32
          %get3A_67 = arith.index_cast %add3A_66 : i32 to index
          %get3A_68 = tpu.vector_load %arg6[%get3A_67] {strides = array<i32>} : memref<8704xi32, #tpu.memory_space<vmem>>, vector<16xi32>,
          %gt3A_69 = arith.cmpi sgt, %get3A_68, %or3A : vector<16xi32>
          %all_reduce_population_count3A_70 = tpu.all_reduce %gt3A_69 {dim = 0 : i64, kind = #tpu.reduction_kind<sum>} : vector<16xi1> -> vector<16xi32>
          %add3A_71 = arith.addi %scan3A_55, %all_reduce_population_count3A_70 : vector<16xi32>
          %add3A_72 = arith.constant 32 : i32
          %add3A_73 = arith.addi %mul3A_59, %add3A_72 : i32
          %get3A_74 = arith.index_cast %add3A_73 : i32 to index
          %get3A_75 = tpu.vector_load %arg6[%get3A_74] {strides = array<i32>} : memref<8704xi32, #tpu.memory_space<vmem>>, vector<16xi32>,
          %gt3A_76 = arith.cmpi sgt, %get3A_75, %or3A : vector<16xi32>
          %all_reduce_population_count3A_77 = tpu.all_reduce %gt3A_76 {dim = 0 : i64, kind = #tpu.reduction_kind<sum>} : vector<16xi1> -> vector<16xi32>
          %add3A_78 = arith.addi %scan3A_56, %all_reduce_population_count3A_77 : vector<16xi32>
          %add3A_79 = arith.constant 48 : i32
          %add3A_80 = arith.addi %mul3A_59, %add3A_79 : i32
          %get3A_81 = arith.index_cast %add3A_80 : i32 to index
          %get3A_82 = tpu.vector_load %arg6[%get3A_81] {strides = array<i32>} : memref<8704xi32, #tpu.memory_space<vmem>>, vector<16xi32>,
          %gt3A_83 = arith.cmpi sgt, %get3A_82, %or3A : vector<16xi32>
          %all_reduce_population_count3A_84 = tpu.all_reduce %gt3A_83 {dim = 0 : i64, kind = #tpu.reduction_kind<sum>} : vector<16xi1> -> vector<16xi32>
          %add3A_85 = arith.addi %scan3A_57, %all_reduce_population_count3A_84 : vector<16xi32>
          %add3A_86 = arith.constant 64 : i32
          %add3A_87 = arith.addi %mul3A_59, %add3A_86 : i32
          %get3A_88 = arith.index_cast %add3A_87 : i32 to index
          %get3A_89 = tpu.vector_load %arg6[%get3A_88] {strides = array<i32>} : memref<8704xi32, #tpu.memory_space<vmem>>, vector<16xi32>,
          %gt3A_90 = arith.cmpi sgt, %get3A_89, %or3A : vector<16xi32>
          %all_reduce_population_count3A_91 = tpu.all_reduce %gt3A_90 {dim = 0 : i64, kind = #tpu.reduction_kind<sum>} : vector<16xi1> -> vector<16xi32>
          %add3A_92 = arith.addi %add3A_64, %all_reduce_population_count3A_91 : vector<16xi32>
          %add3A_93 = arith.constant 80 : i32
          %add3A_94 = arith.addi %mul3A_59, %add3A_93 : i32
          %get3A_95 = arith.index_cast %add3A_94 : i32 to index
          %get3A_96 = tpu.vector_load %arg6[%get3A_95] {strides = array<i32>} : memref<8704xi32, #tpu.memory_space<vmem>>, vector<16xi32>,
          %gt3A_97 = arith.cmpi sgt, %get3A_96, %or3A : vector<16xi32>
          %all_reduce_population_count3A_98 = tpu.all_reduce %gt3A_97 {dim = 0 : i64, kind = #tpu.reduction_kind<sum>} : vector<16xi1> -> vector<16xi32>
          %add3A_99 = arith.addi %add3A_71, %all_reduce_population_count3A_98 : vector<16xi32>
          %add3A_100 = arith.constant 96 : i32
          %add3A_101 = arith.addi %mul3A_59, %add3A_100 : i32
          %get3A_102 = arith.index_cast %add3A_101 : i32 to index
          %get3A_103 = tpu.vector_load %arg6[%get3A_102] {strides = array<i32>} : memref<8704xi32, #tpu.memory_space<vmem>>, vector<16xi32>,
          %gt3A_104 = arith.cmpi sgt, %get3A_103, %or3A : vector<16xi32>
          %all_reduce_population_count3A_105 = tpu.all_reduce %gt3A_104 {dim = 0 : i64, kind = #tpu.reduction_kind<sum>} : vector<16xi1> -> vector<16xi32>
          %add3A_106 = arith.addi %add3A_78, %all_reduce_population_count3A_105 : vector<16xi32>
          %add3A_107 = arith.constant 112 : i32
          %add3A_108 = arith.addi %mul3A_59, %add3A_107 : i32
          %get3A_109 = arith.index_cast %add3A_108 : i32 to index
          %get3A_110 = tpu.vector_load %arg6[%get3A_109] {strides = array<i32>} : memref<8704xi32, #tpu.memory_space<vmem>>, vector<16xi32>,
          %gt3A_111 = arith.cmpi sgt, %get3A_110, %or3A : vector<16xi32>
          %all_reduce_population_count3A_112 = tpu.all_reduce %gt3A_111 {dim = 0 : i64, kind = #tpu.reduction_kind<sum>} : vector<16xi1> -> vector<16xi32>
          %add3A_113 = arith.addi %add3A_85, %all_reduce_population_count3A_112 : vector<16xi32>
          %add3A_114 = arith.constant 128 : i32
          %add3A_115 = arith.addi %mul3A_59, %add3A_114 : i32
          %get3A_116 = arith.index_cast %add3A_115 : i32 to index
          %get3A_117 = tpu.vector_load %arg6[%get3A_116] {strides = array<i32>} : memref<8704xi32, #tpu.memory_space<vmem>>, vector<16xi32>,
          %gt3A_118 = arith.cmpi sgt, %get3A_117, %or3A : vector<16xi32>
          %all_reduce_population_count3A_119 = tpu.all_reduce %gt3A_118 {dim = 0 : i64, kind = #tpu.reduction_kind<sum>} : vector<16xi1> -> vector<16xi32>
          %add3A_120 = arith.addi %add3A_92, %all_reduce_population_count3A_119 : vector<16xi32>
          %add3A_121 = arith.constant 144 : i32
          %add3A_122 = arith.addi %mul3A_59, %add3A_121 : i32
          %get3A_123 = arith.index_cast %add3A_122 : i32 to index
          %get3A_124 = tpu.vector_load %arg6[%get3A_123] {strides = array<i32>} : memref<8704xi32, #tpu.memory_space<vmem>>, vector<16xi32>,
          %gt3A_125 = arith.cmpi sgt, %get3A_124, %or3A : vector<16xi32>
          %all_reduce_population_count3A_126 = tpu.all_reduce %gt3A_125 {dim = 0 : i64, kind = #tpu.reduction_kind<sum>} : vector<16xi1> -> vector<16xi32>
          %add3A_127 = arith.addi %add3A_99, %all_reduce_population_count3A_126 : vector<16xi32>
          %add3A_128 = arith.constant 160 : i32
          %add3A_129 = arith.addi %mul3A_59, %add3A_128 : i32
          %get3A_130 = arith.index_cast %add3A_129 : i32 to index
          %get3A_131 = tpu.vector_load %arg6[%get3A_130] {strides = array<i32>} : memref<8704xi32, #tpu.memory_space<vmem>>, vector<16xi32>,
          %gt3A_132 = arith.cmpi sgt, %get3A_131, %or3A : vector<16xi32>
          %all_reduce_population_count3A_133 = tpu.all_reduce %gt3A_132 {dim = 0 : i64, kind = #tpu.reduction_kind<sum>} : vector<16xi1> -> vector<16xi32>
          %add3A_134 = arith.addi %add3A_106, %all_reduce_population_count3A_133 : vector<16xi32>
          %add3A_135 = arith.constant 176 : i32
          %add3A_136 = arith.addi %mul3A_59, %add3A_135 : i32
          %get3A_137 = arith.index_cast %add3A_136 : i32 to index
          %get3A_138 = tpu.vector_load %arg6[%get3A_137] {strides = array<i32>} : memref<8704xi32, #tpu.memory_space<vmem>>, vector<16xi32>,
          %gt3A_139 = arith.cmpi sgt, %get3A_138, %or3A : vector<16xi32>
          %all_reduce_population_count3A_140 = tpu.all_reduce %gt3A_139 {dim = 0 : i64, kind = #tpu.reduction_kind<sum>} : vector<16xi1> -> vector<16xi32>
          %add3A_141 = arith.addi %add3A_113, %all_reduce_population_count3A_140 : vector<16xi32>
          %add3A_142 = arith.constant 192 : i32
          %add3A_143 = arith.addi %mul3A_59, %add3A_142 : i32
          %get3A_144 = arith.index_cast %add3A_143 : i32 to index
          %get3A_145 = tpu.vector_load %arg6[%get3A_144] {strides = array<i32>} : memref<8704xi32, #tpu.memory_space<vmem>>, vector<16xi32>,
          %gt3A_146 = arith.cmpi sgt, %get3A_145, %or3A : vector<16xi32>
          %all_reduce_population_count3A_147 = tpu.all_reduce %gt3A_146 {dim = 0 : i64, kind = #tpu.reduction_kind<sum>} : vector<16xi1> -> vector<16xi32>
          %add3A_148 = arith.addi %add3A_120, %all_reduce_population_count3A_147 : vector<16xi32>
          %add3A_149 = arith.constant 208 : i32
          %add3A_150 = arith.addi %mul3A_59, %add3A_149 : i32
          %get3A_151 = arith.index_cast %add3A_150 : i32 to index
          %get3A_152 = tpu.vector_load %arg6[%get3A_151] {strides = array<i32>} : memref<8704xi32, #tpu.memory_space<vmem>>, vector<16xi32>,
          %gt3A_153 = arith.cmpi sgt, %get3A_152, %or3A : vector<16xi32>
          %all_reduce_population_count3A_154 = tpu.all_reduce %gt3A_153 {dim = 0 : i64, kind = #tpu.reduction_kind<sum>} : vector<16xi1> -> vector<16xi32>
          %add3A_155 = arith.addi %add3A_127, %all_reduce_population_count3A_154 : vector<16xi32>
          %add3A_156 = arith.constant 224 : i32
          %add3A_157 = arith.addi %mul3A_59, %add3A_156 : i32
          %get3A_158 = arith.index_cast %add3A_157 : i32 to index
          %get3A_159 = tpu.vector_load %arg6[%get3A_158] {strides = array<i32>} : memref<8704xi32, #tpu.memory_space<vmem>>, vector<16xi32>,
          %gt3A_160 = arith.cmpi sgt, %get3A_159, %or3A : vector<16xi32>
          %all_reduce_population_count3A_161 = tpu.all_reduce %gt3A_160 {dim = 0 : i64, kind = #tpu.reduction_kind<sum>} : vector<16xi1> -> vector<16xi32>
          %add3A_162 = arith.addi %add3A_134, %all_reduce_population_count3A_161 : vector<16xi32>
          %add3A_163 = arith.constant 240 : i32
          %add3A_164 = arith.addi %mul3A_59, %add3A_163 : i32
          %get3A_165 = arith.index_cast %add3A_164 : i32 to index
          %get3A_166 = tpu.vector_load %arg6[%get3A_165] {strides = array<i32>} : memref<8704xi32, #tpu.memory_space<vmem>>, vector<16xi32>,
          %gt3A_167 = arith.cmpi sgt, %get3A_166, %or3A : vector<16xi32>
          %all_reduce_population_count3A_168 = tpu.all_reduce %gt3A_167 {dim = 0 : i64, kind = #tpu.reduction_kind<sum>} : vector<16xi1> -> vector<16xi32>
          %add3A_169 = arith.addi %add3A_141, %all_reduce_population_count3A_168 : vector<16xi32>
          scf.yield %add3A_148, %add3A_155, %add3A_162, %add3A_169 : vector<16xi32>, vector<16xi32>, vector<16xi32>, vector<16xi32>
        }
        %scan3A_49 = arith.constant 34 : i32
        %add3A_50 = arith.addi %scan3A_48#0, %scan3A_48#1 : vector<16xi32>
        %add3A_51 = arith.addi %add3A_50, %scan3A_48#2 : vector<16xi32>
        %add3A_52 = arith.addi %add3A_51, %scan3A_48#3 : vector<16xi32>
        %ge3A = arith.cmpi sge, %add3A_52, %max3A : vector<16xi32>
        %select_n3A = arith.select %ge3A, %or3A, %scan3A_42 : vector<16xi1>, vector<16xi32>
        %shift_right_logical3A = arith.shrui %scan3A_43, %broadcast_in_dim3A_6 : vector<16xi32>
        scf.yield %select_n3A, %shift_right_logical3A : vector<16xi32>, vector<16xi32>
      }
      %scan3A_22 = arith.constant 24 : i32
      %add3A_23 = arith.addi %scan3A_21#0, %broadcast_in_dim3A_6 : vector<16xi32>
      %bitcast_convert_type3A = tpu.bitcast %add3A_23 : vector<16xi32> -> vector<16xf32>
      %scan3A_24 = arith.constant 0 : i32
      %scan3A_25 = arith.constant 34 : i32
      %scan3A_26 = arith.addi %scan3A_24, %scan3A_25 : i32
      %scan3A_27 = arith.constant 1 : i32
      %scan3A_28:5 = scf.for %scan3A_41 = %scan3A_24 to %scan3A_26 step %scan3A_27 iter_args(%scan3A_42 = %broadcast_in_dim3A_8, %scan3A_43 = %broadcast_in_dim3A_8, %scan3A_44 = %broadcast_in_dim3A_8, %scan3A_45 = %broadcast_in_dim3A_8, %scan3A_46 = %broadcast_in_dim3A_4) -> (vector<16xf32>, vector<16xf32>, vector<16xf32>, vector<16xf32>, vector<16xi32>)  : i32 {
        %mul3A_47 = arith.constant 256 : i32
        %mul3A_48 = arith.muli %scan3A_41, %mul3A_47 : i32
        %add3A_49 = arith.constant 0 : i32
        %add3A_50 = arith.addi %mul3A_48, %add3A_49 : i32
        %get3A_51 = arith.index_cast %add3A_50 : i32 to index
        %get3A_52 = tpu.vector_load %arg6[%get3A_51] {strides = array<i32>} : memref<8704xi32, #tpu.memory_space<vmem>>, vector<16xi32>,
        %gt3A = arith.cmpi sgt, %get3A_52, %scan3A_21#0 : vector<16xi32>
        %get3A_53 = arith.index_cast %add3A_50 : i32 to index
        %get3A_54 = tpu.vector_load %arg5[%get3A_53] {strides = array<i32>} : memref<8704xf32, #tpu.memory_space<vmem>>, vector<16xf32>,
        %select_n3A = arith.select %gt3A, %get3A_54, %broadcast_in_dim3A_8 : vector<16xi1>, vector<16xf32>
        %add3A_55 = arith.addf %scan3A_42, %select_n3A : vector<16xf32>
        %all_reduce_population_count3A = tpu.all_reduce %gt3A {dim = 0 : i64, kind = #tpu.reduction_kind<sum>} : vector<16xi1> -> vector<16xi32>
        %add3A_56 = arith.addi %scan3A_46, %all_reduce_population_count3A : vector<16xi32>
        %add3A_57 = arith.constant 16 : i32
        %add3A_58 = arith.addi %mul3A_48, %add3A_57 : i32
        %get3A_59 = arith.index_cast %add3A_58 : i32 to index
        %get3A_60 = tpu.vector_load %arg6[%get3A_59] {strides = array<i32>} : memref<8704xi32, #tpu.memory_space<vmem>>, vector<16xi32>,
        %gt3A_61 = arith.cmpi sgt, %get3A_60, %scan3A_21#0 : vector<16xi32>
        %get3A_62 = arith.index_cast %add3A_58 : i32 to index
        %get3A_63 = tpu.vector_load %arg5[%get3A_62] {strides = array<i32>} : memref<8704xf32, #tpu.memory_space<vmem>>, vector<16xf32>,
        %select_n3A_64 = arith.select %gt3A_61, %get3A_63, %broadcast_in_dim3A_8 : vector<16xi1>, vector<16xf32>
        %add3A_65 = arith.addf %scan3A_43, %select_n3A_64 : vector<16xf32>
        %all_reduce_population_count3A_66 = tpu.all_reduce %gt3A_61 {dim = 0 : i64, kind = #tpu.reduction_kind<sum>} : vector<16xi1> -> vector<16xi32>
        %add3A_67 = arith.addi %add3A_56, %all_reduce_population_count3A_66 : vector<16xi32>
        %add3A_68 = arith.constant 32 : i32
        %add3A_69 = arith.addi %mul3A_48, %add3A_68 : i32
        %get3A_70 = arith.index_cast %add3A_69 : i32 to index
        %get3A_71 = tpu.vector_load %arg6[%get3A_70] {strides = array<i32>} : memref<8704xi32, #tpu.memory_space<vmem>>, vector<16xi32>,
        %gt3A_72 = arith.cmpi sgt, %get3A_71, %scan3A_21#0 : vector<16xi32>
        %get3A_73 = arith.index_cast %add3A_69 : i32 to index
        %get3A_74 = tpu.vector_load %arg5[%get3A_73] {strides = array<i32>} : memref<8704xf32, #tpu.memory_space<vmem>>, vector<16xf32>,
        %select_n3A_75 = arith.select %gt3A_72, %get3A_74, %broadcast_in_dim3A_8 : vector<16xi1>, vector<16xf32>
        %add3A_76 = arith.addf %scan3A_44, %select_n3A_75 : vector<16xf32>
        %all_reduce_population_count3A_77 = tpu.all_reduce %gt3A_72 {dim = 0 : i64, kind = #tpu.reduction_kind<sum>} : vector<16xi1> -> vector<16xi32>
        %add3A_78 = arith.addi %add3A_67, %all_reduce_population_count3A_77 : vector<16xi32>
        %add3A_79 = arith.constant 48 : i32
        %add3A_80 = arith.addi %mul3A_48, %add3A_79 : i32
        %get3A_81 = arith.index_cast %add3A_80 : i32 to index
        %get3A_82 = tpu.vector_load %arg6[%get3A_81] {strides = array<i32>} : memref<8704xi32, #tpu.memory_space<vmem>>, vector<16xi32>,
        %gt3A_83 = arith.cmpi sgt, %get3A_82, %scan3A_21#0 : vector<16xi32>
        %get3A_84 = arith.index_cast %add3A_80 : i32 to index
        %get3A_85 = tpu.vector_load %arg5[%get3A_84] {strides = array<i32>} : memref<8704xf32, #tpu.memory_space<vmem>>, vector<16xf32>,
        %select_n3A_86 = arith.select %gt3A_83, %get3A_85, %broadcast_in_dim3A_8 : vector<16xi1>, vector<16xf32>
        %add3A_87 = arith.addf %scan3A_45, %select_n3A_86 : vector<16xf32>
        %all_reduce_population_count3A_88 = tpu.all_reduce %gt3A_83 {dim = 0 : i64, kind = #tpu.reduction_kind<sum>} : vector<16xi1> -> vector<16xi32>
        %add3A_89 = arith.addi %add3A_78, %all_reduce_population_count3A_88 : vector<16xi32>
        %add3A_90 = arith.constant 64 : i32
        %add3A_91 = arith.addi %mul3A_48, %add3A_90 : i32
        %get3A_92 = arith.index_cast %add3A_91 : i32 to index
        %get3A_93 = tpu.vector_load %arg6[%get3A_92] {strides = array<i32>} : memref<8704xi32, #tpu.memory_space<vmem>>, vector<16xi32>,
        %gt3A_94 = arith.cmpi sgt, %get3A_93, %scan3A_21#0 : vector<16xi32>
        %get3A_95 = arith.index_cast %add3A_91 : i32 to index
        %get3A_96 = tpu.vector_load %arg5[%get3A_95] {strides = array<i32>} : memref<8704xf32, #tpu.memory_space<vmem>>, vector<16xf32>,
        %select_n3A_97 = arith.select %gt3A_94, %get3A_96, %broadcast_in_dim3A_8 : vector<16xi1>, vector<16xf32>
        %add3A_98 = arith.addf %add3A_55, %select_n3A_97 : vector<16xf32>
        %all_reduce_population_count3A_99 = tpu.all_reduce %gt3A_94 {dim = 0 : i64, kind = #tpu.reduction_kind<sum>} : vector<16xi1> -> vector<16xi32>
        %add3A_100 = arith.addi %add3A_89, %all_reduce_population_count3A_99 : vector<16xi32>
        %add3A_101 = arith.constant 80 : i32
        %add3A_102 = arith.addi %mul3A_48, %add3A_101 : i32
        %get3A_103 = arith.index_cast %add3A_102 : i32 to index
        %get3A_104 = tpu.vector_load %arg6[%get3A_103] {strides = array<i32>} : memref<8704xi32, #tpu.memory_space<vmem>>, vector<16xi32>,
        %gt3A_105 = arith.cmpi sgt, %get3A_104, %scan3A_21#0 : vector<16xi32>
        %get3A_106 = arith.index_cast %add3A_102 : i32 to index
        %get3A_107 = tpu.vector_load %arg5[%get3A_106] {strides = array<i32>} : memref<8704xf32, #tpu.memory_space<vmem>>, vector<16xf32>,
        %select_n3A_108 = arith.select %gt3A_105, %get3A_107, %broadcast_in_dim3A_8 : vector<16xi1>, vector<16xf32>
        %add3A_109 = arith.addf %add3A_65, %select_n3A_108 : vector<16xf32>
        %all_reduce_population_count3A_110 = tpu.all_reduce %gt3A_105 {dim = 0 : i64, kind = #tpu.reduction_kind<sum>} : vector<16xi1> -> vector<16xi32>
        %add3A_111 = arith.addi %add3A_100, %all_reduce_population_count3A_110 : vector<16xi32>
        %add3A_112 = arith.constant 96 : i32
        %add3A_113 = arith.addi %mul3A_48, %add3A_112 : i32
        %get3A_114 = arith.index_cast %add3A_113 : i32 to index
        %get3A_115 = tpu.vector_load %arg6[%get3A_114] {strides = array<i32>} : memref<8704xi32, #tpu.memory_space<vmem>>, vector<16xi32>,
        %gt3A_116 = arith.cmpi sgt, %get3A_115, %scan3A_21#0 : vector<16xi32>
        %get3A_117 = arith.index_cast %add3A_113 : i32 to index
        %get3A_118 = tpu.vector_load %arg5[%get3A_117] {strides = array<i32>} : memref<8704xf32, #tpu.memory_space<vmem>>, vector<16xf32>,
        %select_n3A_119 = arith.select %gt3A_116, %get3A_118, %broadcast_in_dim3A_8 : vector<16xi1>, vector<16xf32>
        %add3A_120 = arith.addf %add3A_76, %select_n3A_119 : vector<16xf32>
        %all_reduce_population_count3A_121 = tpu.all_reduce %gt3A_116 {dim = 0 : i64, kind = #tpu.reduction_kind<sum>} : vector<16xi1> -> vector<16xi32>
        %add3A_122 = arith.addi %add3A_111, %all_reduce_population_count3A_121 : vector<16xi32>
        %add3A_123 = arith.constant 112 : i32
        %add3A_124 = arith.addi %mul3A_48, %add3A_123 : i32
        %get3A_125 = arith.index_cast %add3A_124 : i32 to index
        %get3A_126 = tpu.vector_load %arg6[%get3A_125] {strides = array<i32>} : memref<8704xi32, #tpu.memory_space<vmem>>, vector<16xi32>,
        %gt3A_127 = arith.cmpi sgt, %get3A_126, %scan3A_21#0 : vector<16xi32>
        %get3A_128 = arith.index_cast %add3A_124 : i32 to index
        %get3A_129 = tpu.vector_load %arg5[%get3A_128] {strides = array<i32>} : memref<8704xf32, #tpu.memory_space<vmem>>, vector<16xf32>,
        %select_n3A_130 = arith.select %gt3A_127, %get3A_129, %broadcast_in_dim3A_8 : vector<16xi1>, vector<16xf32>
        %add3A_131 = arith.addf %add3A_87, %select_n3A_130 : vector<16xf32>
        %all_reduce_population_count3A_132 = tpu.all_reduce %gt3A_127 {dim = 0 : i64, kind = #tpu.reduction_kind<sum>} : vector<16xi1> -> vector<16xi32>
        %add3A_133 = arith.addi %add3A_122, %all_reduce_population_count3A_132 : vector<16xi32>
        %add3A_134 = arith.constant 128 : i32
        %add3A_135 = arith.addi %mul3A_48, %add3A_134 : i32
        %get3A_136 = arith.index_cast %add3A_135 : i32 to index
        %get3A_137 = tpu.vector_load %arg6[%get3A_136] {strides = array<i32>} : memref<8704xi32, #tpu.memory_space<vmem>>, vector<16xi32>,
        %gt3A_138 = arith.cmpi sgt, %get3A_137, %scan3A_21#0 : vector<16xi32>
        %get3A_139 = arith.index_cast %add3A_135 : i32 to index
        %get3A_140 = tpu.vector_load %arg5[%get3A_139] {strides = array<i32>} : memref<8704xf32, #tpu.memory_space<vmem>>, vector<16xf32>,
        %select_n3A_141 = arith.select %gt3A_138, %get3A_140, %broadcast_in_dim3A_8 : vector<16xi1>, vector<16xf32>
        %add3A_142 = arith.addf %add3A_98, %select_n3A_141 : vector<16xf32>
        %all_reduce_population_count3A_143 = tpu.all_reduce %gt3A_138 {dim = 0 : i64, kind = #tpu.reduction_kind<sum>} : vector<16xi1> -> vector<16xi32>
        %add3A_144 = arith.addi %add3A_133, %all_reduce_population_count3A_143 : vector<16xi32>
        %add3A_145 = arith.constant 144 : i32
        %add3A_146 = arith.addi %mul3A_48, %add3A_145 : i32
        %get3A_147 = arith.index_cast %add3A_146 : i32 to index
        %get3A_148 = tpu.vector_load %arg6[%get3A_147] {strides = array<i32>} : memref<8704xi32, #tpu.memory_space<vmem>>, vector<16xi32>,
        %gt3A_149 = arith.cmpi sgt, %get3A_148, %scan3A_21#0 : vector<16xi32>
        %get3A_150 = arith.index_cast %add3A_146 : i32 to index
        %get3A_151 = tpu.vector_load %arg5[%get3A_150] {strides = array<i32>} : memref<8704xf32, #tpu.memory_space<vmem>>, vector<16xf32>,
        %select_n3A_152 = arith.select %gt3A_149, %get3A_151, %broadcast_in_dim3A_8 : vector<16xi1>, vector<16xf32>
        %add3A_153 = arith.addf %add3A_109, %select_n3A_152 : vector<16xf32>
        %all_reduce_population_count3A_154 = tpu.all_reduce %gt3A_149 {dim = 0 : i64, kind = #tpu.reduction_kind<sum>} : vector<16xi1> -> vector<16xi32>
        %add3A_155 = arith.addi %add3A_144, %all_reduce_population_count3A_154 : vector<16xi32>
        %add3A_156 = arith.constant 160 : i32
        %add3A_157 = arith.addi %mul3A_48, %add3A_156 : i32
        %get3A_158 = arith.index_cast %add3A_157 : i32 to index
        %get3A_159 = tpu.vector_load %arg6[%get3A_158] {strides = array<i32>} : memref<8704xi32, #tpu.memory_space<vmem>>, vector<16xi32>,
        %gt3A_160 = arith.cmpi sgt, %get3A_159, %scan3A_21#0 : vector<16xi32>
        %get3A_161 = arith.index_cast %add3A_157 : i32 to index
        %get3A_162 = tpu.vector_load %arg5[%get3A_161] {strides = array<i32>} : memref<8704xf32, #tpu.memory_space<vmem>>, vector<16xf32>,
        %select_n3A_163 = arith.select %gt3A_160, %get3A_162, %broadcast_in_dim3A_8 : vector<16xi1>, vector<16xf32>
        %add3A_164 = arith.addf %add3A_120, %select_n3A_163 : vector<16xf32>
        %all_reduce_population_count3A_165 = tpu.all_reduce %gt3A_160 {dim = 0 : i64, kind = #tpu.reduction_kind<sum>} : vector<16xi1> -> vector<16xi32>
        %add3A_166 = arith.addi %add3A_155, %all_reduce_population_count3A_165 : vector<16xi32>
        %add3A_167 = arith.constant 176 : i32
        %add3A_168 = arith.addi %mul3A_48, %add3A_167 : i32
        %get3A_169 = arith.index_cast %add3A_168 : i32 to index
        %get3A_170 = tpu.vector_load %arg6[%get3A_169] {strides = array<i32>} : memref<8704xi32, #tpu.memory_space<vmem>>, vector<16xi32>,
        %gt3A_171 = arith.cmpi sgt, %get3A_170, %scan3A_21#0 : vector<16xi32>
        %get3A_172 = arith.index_cast %add3A_168 : i32 to index
        %get3A_173 = tpu.vector_load %arg5[%get3A_172] {strides = array<i32>} : memref<8704xf32, #tpu.memory_space<vmem>>, vector<16xf32>,
        %select_n3A_174 = arith.select %gt3A_171, %get3A_173, %broadcast_in_dim3A_8 : vector<16xi1>, vector<16xf32>
        %add3A_175 = arith.addf %add3A_131, %select_n3A_174 : vector<16xf32>
        %all_reduce_population_count3A_176 = tpu.all_reduce %gt3A_171 {dim = 0 : i64, kind = #tpu.reduction_kind<sum>} : vector<16xi1> -> vector<16xi32>
        %add3A_177 = arith.addi %add3A_166, %all_reduce_population_count3A_176 : vector<16xi32>
        %add3A_178 = arith.constant 192 : i32
        %add3A_179 = arith.addi %mul3A_48, %add3A_178 : i32
        %get3A_180 = arith.index_cast %add3A_179 : i32 to index
        %get3A_181 = tpu.vector_load %arg6[%get3A_180] {strides = array<i32>} : memref<8704xi32, #tpu.memory_space<vmem>>, vector<16xi32>,
        %gt3A_182 = arith.cmpi sgt, %get3A_181, %scan3A_21#0 : vector<16xi32>
        %get3A_183 = arith.index_cast %add3A_179 : i32 to index
        %get3A_184 = tpu.vector_load %arg5[%get3A_183] {strides = array<i32>} : memref<8704xf32, #tpu.memory_space<vmem>>, vector<16xf32>,
        %select_n3A_185 = arith.select %gt3A_182, %get3A_184, %broadcast_in_dim3A_8 : vector<16xi1>, vector<16xf32>
        %add3A_186 = arith.addf %add3A_142, %select_n3A_185 : vector<16xf32>
        %all_reduce_population_count3A_187 = tpu.all_reduce %gt3A_182 {dim = 0 : i64, kind = #tpu.reduction_kind<sum>} : vector<16xi1> -> vector<16xi32>
        %add3A_188 = arith.addi %add3A_177, %all_reduce_population_count3A_187 : vector<16xi32>
        %add3A_189 = arith.constant 208 : i32
        %add3A_190 = arith.addi %mul3A_48, %add3A_189 : i32
        %get3A_191 = arith.index_cast %add3A_190 : i32 to index
        %get3A_192 = tpu.vector_load %arg6[%get3A_191] {strides = array<i32>} : memref<8704xi32, #tpu.memory_space<vmem>>, vector<16xi32>,
        %gt3A_193 = arith.cmpi sgt, %get3A_192, %scan3A_21#0 : vector<16xi32>
        %get3A_194 = arith.index_cast %add3A_190 : i32 to index
        %get3A_195 = tpu.vector_load %arg5[%get3A_194] {strides = array<i32>} : memref<8704xf32, #tpu.memory_space<vmem>>, vector<16xf32>,
        %select_n3A_196 = arith.select %gt3A_193, %get3A_195, %broadcast_in_dim3A_8 : vector<16xi1>, vector<16xf32>
        %add3A_197 = arith.addf %add3A_153, %select_n3A_196 : vector<16xf32>
        %all_reduce_population_count3A_198 = tpu.all_reduce %gt3A_193 {dim = 0 : i64, kind = #tpu.reduction_kind<sum>} : vector<16xi1> -> vector<16xi32>
        %add3A_199 = arith.addi %add3A_188, %all_reduce_population_count3A_198 : vector<16xi32>
        %add3A_200 = arith.constant 224 : i32
        %add3A_201 = arith.addi %mul3A_48, %add3A_200 : i32
        %get3A_202 = arith.index_cast %add3A_201 : i32 to index
        %get3A_203 = tpu.vector_load %arg6[%get3A_202] {strides = array<i32>} : memref<8704xi32, #tpu.memory_space<vmem>>, vector<16xi32>,
        %gt3A_204 = arith.cmpi sgt, %get3A_203, %scan3A_21#0 : vector<16xi32>
        %get3A_205 = arith.index_cast %add3A_201 : i32 to index
        %get3A_206 = tpu.vector_load %arg5[%get3A_205] {strides = array<i32>} : memref<8704xf32, #tpu.memory_space<vmem>>, vector<16xf32>,
        %select_n3A_207 = arith.select %gt3A_204, %get3A_206, %broadcast_in_dim3A_8 : vector<16xi1>, vector<16xf32>
        %add3A_208 = arith.addf %add3A_164, %select_n3A_207 : vector<16xf32>
        %all_reduce_population_count3A_209 = tpu.all_reduce %gt3A_204 {dim = 0 : i64, kind = #tpu.reduction_kind<sum>} : vector<16xi1> -> vector<16xi32>
        %add3A_210 = arith.addi %add3A_199, %all_reduce_population_count3A_209 : vector<16xi32>
        %add3A_211 = arith.constant 240 : i32
        %add3A_212 = arith.addi %mul3A_48, %add3A_211 : i32
        %get3A_213 = arith.index_cast %add3A_212 : i32 to index
        %get3A_214 = tpu.vector_load %arg6[%get3A_213] {strides = array<i32>} : memref<8704xi32, #tpu.memory_space<vmem>>, vector<16xi32>,
        %gt3A_215 = arith.cmpi sgt, %get3A_214, %scan3A_21#0 : vector<16xi32>
        %get3A_216 = arith.index_cast %add3A_212 : i32 to index
        %get3A_217 = tpu.vector_load %arg5[%get3A_216] {strides = array<i32>} : memref<8704xf32, #tpu.memory_space<vmem>>, vector<16xf32>,
        %select_n3A_218 = arith.select %gt3A_215, %get3A_217, %broadcast_in_dim3A_8 : vector<16xi1>, vector<16xf32>
        %add3A_219 = arith.addf %add3A_175, %select_n3A_218 : vector<16xf32>
        %all_reduce_population_count3A_220 = tpu.all_reduce %gt3A_215 {dim = 0 : i64, kind = #tpu.reduction_kind<sum>} : vector<16xi1> -> vector<16xi32>
        %add3A_221 = arith.addi %add3A_210, %all_reduce_population_count3A_220 : vector<16xi32>
        scf.yield %add3A_186, %add3A_197, %add3A_208, %add3A_219, %add3A_221 : vector<16xf32>, vector<16xf32>, vector<16xf32>, vector<16xf32>, vector<16xi32>
      }
      %scan3A_29 = arith.constant 34 : i32
      %add3A_30 = arith.addf %scan3A_28#0, %scan3A_28#1 : vector<16xf32>
      %add3A_31 = arith.addf %add3A_30, %scan3A_28#2 : vector<16xf32>
      %add3A_32 = arith.addf %add3A_31, %scan3A_28#3 : vector<16xf32>
      %convert_element_type3A_33 = arith.sitofp %get3A_3 : vector<16xi32> to vector<16xf32>
      %convert_element_type3A_34 = arith.sitofp %scan3A_28#4 : vector<16xi32> to vector<16xf32>
      %broadcast_in_dim3A_35 = arith.constant 6.250000e-02 : f32
      %broadcast_in_dim3A_36 = vector.broadcast %broadcast_in_dim3A_35 : f32 to vector<16xf32>
      %sub3A = arith.subf %convert_element_type3A_33, %convert_element_type3A_34 : vector<16xf32>
      %mul3A_37 = arith.mulf %sub3A, %bitcast_convert_type3A : vector<16xf32>
      %mul3A_38 = arith.mulf %mul3A_37, %broadcast_in_dim3A_36 : vector<16xf32>
      %add3A_39 = arith.addf %add3A_32, %mul3A_38 : vector<16xf32>
      %swap3A = arith.constant 0 : index
      %swap3A_40 = tpu.vector_load %arg8[%swap3A] {strides = array<i32>} : memref<16xf32, #tpu.memory_space<vmem>>, vector<16xf32>,
      tpu.vector_store %arg8[%swap3A], %add3A_39 {strides = array<i32>} : memref<16xf32, #tpu.memory_space<vmem>>, vector<16xf32>,
      "tpu.region"() ({
        %run_scoped3A = tpu.sem_alloc : memref<!tpu.dma_semaphore, #tpu.memory_space<semaphore_mem>>
        %dma_start3A = arith.constant 0 : i32
        %dma_start3A_41 = tpu.memref_slice %arg4[%add3A, %dma_start3A] : memref<32x16xf32, #tpu.memory_space<hbm>> -> memref<1x16xf32, #tpu.memory_space<hbm>>
        %dma_start3A_42 = tpu.memref_squeeze %dma_start3A_41 : memref<1x16xf32, #tpu.memory_space<hbm>> -> memref<16xf32, #tpu.memory_space<hbm>>
        %dma_start3A_43 = arith.constant 0 : i32
        %dma_start3A_44 = tpu.memref_slice %arg4[%add3A, %dma_start3A_43] : memref<32x16xf32, #tpu.memory_space<hbm>> -> memref<1x16xf32, #tpu.memory_space<hbm>>
        %dma_start3A_45 = tpu.memref_squeeze %dma_start3A_44 : memref<1x16xf32, #tpu.memory_space<hbm>> -> memref<16xf32, #tpu.memory_space<hbm>>
        tpu.enqueue_dma source(%arg8 : memref<16xf32, #tpu.memory_space<vmem>>) target(%dma_start3A_45 : memref<16xf32, #tpu.memory_space<hbm>>) target_semaphore(%run_scoped3A : memref<!tpu.dma_semaphore, #tpu.memory_space<semaphore_mem>>)
        %dma_wait3A = arith.constant 0 : i32
        %dma_wait3A_46 = tpu.memref_slice %arg4[%add3A, %dma_wait3A] : memref<32x16xf32, #tpu.memory_space<hbm>> -> memref<1x16xf32, #tpu.memory_space<hbm>>
        %dma_wait3A_47 = tpu.memref_squeeze %dma_wait3A_46 : memref<1x16xf32, #tpu.memory_space<hbm>> -> memref<16xf32, #tpu.memory_space<hbm>>
        %dma_wait3A_48 = arith.constant 0 : i32
        %dma_wait3A_49 = tpu.memref_slice %arg4[%add3A, %dma_wait3A_48] : memref<32x16xf32, #tpu.memory_space<hbm>> -> memref<1x16xf32, #tpu.memory_space<hbm>>
        %dma_wait3A_50 = tpu.memref_squeeze %dma_wait3A_49 : memref<1x16xf32, #tpu.memory_space<hbm>> -> memref<16xf32, #tpu.memory_space<hbm>>
        tpu.wait_dma2 semaphore(%run_scoped3A : memref<!tpu.dma_semaphore, #tpu.memory_space<semaphore_mem>>) src(%arg8 : memref<16xf32, #tpu.memory_space<vmem>>) dst(%dma_wait3A_50 : memref<16xf32, #tpu.memory_space<hbm>>)
        tpu.yield
      }) : () -> ()
    } else {
    }
    return
  }
}

module attributes {stable_mosaic.version = 14 : i64} {
  func.func @_loss_kernel(%arg0: i32, %arg1: memref<2x32x8704xf32, #tpu.memory_space<vmem>>, %arg2: memref<1x8x8x4xf32, #tpu.memory_space<vmem>>, %arg3: memref<1x8x8x1xf32, #tpu.memory_space<vmem>>, %arg4: memref<4x8704xf32, #tpu.memory_space<vmem>>, %arg5: memref<32x8704xf32, #tpu.memory_space<vmem>>, %arg6: memref<32x16xi32, #tpu.memory_space<vmem>>, %arg7: memref<1x128xf32, #tpu.memory_space<vmem>>, %arg8: memref<8x8704xf32, #tpu.memory_space<vmem>>, %arg9: memref<8x8704xi32, #tpu.memory_space<vmem>>, %arg10: memref<32x8704xf32, #tpu.memory_space<vmem>>) attributes {dimension_semantics = [#tpu.dimension_semantics<arbitrary>], iteration_bounds = array<i64: 4>, scalar_prefetch = 0 : i64, scratch_operands = 1 : i64, tpu.core_type = #tpu.core_type<tc>, window_params = [{pipeline_mode = #tpu.pipeline_mode<synchronous>, transform_indices = @transform_0, window_bounds = array<i64: 2, 32, 8704>}, {transform_indices = @transform_1, window_bounds = array<i64: 1, 8, 8, 4>}, {transform_indices = @transform_2, window_bounds = array<i64: 1, 8, 8, 1>}, {pipeline_mode = #tpu.pipeline_mode<synchronous>, transform_indices = @transform_3, window_bounds = array<i64: 4, 8704>}, {pipeline_mode = #tpu.pipeline_mode<synchronous>, transform_indices = @transform_4, window_bounds = array<i64: 32, 8704>}, {pipeline_mode = #tpu.pipeline_mode<synchronous>, transform_indices = @transform_5, window_bounds = array<i64: 32, 16>}, {pipeline_mode = #tpu.pipeline_mode<synchronous>, transform_indices = @transform_6, window_bounds = array<i64: 1, 128>}, {transform_indices = @transform_7, window_bounds = array<i64: 8, 8704>}, {transform_indices = @transform_8, window_bounds = array<i64: 8, 8704>}]} {
    %get3A = arith.constant 0 : index
    %get3A_0 = arith.constant 0 : index
    %get3A_1 = vector.load %arg4[%get3A, %get3A_0] : memref<4x8704xf32, #tpu.memory_space<vmem>>, vector<1x8704xf32>
    %get3A_2 = arith.constant 1 : index
    %get3A_3 = arith.constant 0 : index
    %get3A_4 = vector.load %arg4[%get3A_2, %get3A_3] : memref<4x8704xf32, #tpu.memory_space<vmem>>, vector<1x8704xf32>
    %get3A_5 = arith.constant 2 : index
    %get3A_6 = arith.constant 0 : index
    %get3A_7 = vector.load %arg4[%get3A_5, %get3A_6] : memref<4x8704xf32, #tpu.memory_space<vmem>>, vector<1x8704xf32>
    %get3A_8 = arith.constant 3 : index
    %get3A_9 = arith.constant 0 : index
    %get3A_10 = vector.load %arg4[%get3A_8, %get3A_9] : memref<4x8704xf32, #tpu.memory_space<vmem>>, vector<1x8704xf32>
    %mul3A = arith.constant 5.000000e-01 : f32
    %mul3A_11 = vector.broadcast %mul3A : f32 to vector<1x8704xf32>
    %mul3A_12 = arith.mulf %get3A_7, %mul3A_11 : vector<1x8704xf32>
    %sub3A = arith.subf %get3A_1, %mul3A_12 : vector<1x8704xf32>
    %mul3A_13 = arith.constant 5.000000e-01 : f32
    %mul3A_14 = vector.broadcast %mul3A_13 : f32 to vector<1x8704xf32>
    %mul3A_15 = arith.mulf %get3A_10, %mul3A_14 : vector<1x8704xf32>
    %sub3A_16 = arith.subf %get3A_4, %mul3A_15 : vector<1x8704xf32>
    %mul3A_17 = arith.constant 5.000000e-01 : f32
    %mul3A_18 = vector.broadcast %mul3A_17 : f32 to vector<1x8704xf32>
    %mul3A_19 = arith.mulf %get3A_7, %mul3A_18 : vector<1x8704xf32>
    %add3A = arith.addf %get3A_1, %mul3A_19 : vector<1x8704xf32>
    %mul3A_20 = arith.constant 5.000000e-01 : f32
    %mul3A_21 = vector.broadcast %mul3A_20 : f32 to vector<1x8704xf32>
    %mul3A_22 = arith.mulf %get3A_10, %mul3A_21 : vector<1x8704xf32>
    %add3A_23 = arith.addf %get3A_4, %mul3A_22 : vector<1x8704xf32>
    %iota3A = tpu.iota {dimensions = array<i32: 1>} : vector<1x8704xi32>
    %lt3A = arith.constant 8500 : i32
    %lt3A_24 = vector.broadcast %lt3A : i32 to vector<1x8704xi32>
    %lt3A_25 = arith.cmpi slt, %iota3A, %lt3A_24 : vector<1x8704xi32>
    %get3A_26 = arith.constant 0 : index
    %get3A_27 = arith.constant 0 : index
    %get3A_28 = arith.constant 0 : index
    %get3A_29 = arith.constant 0 : index
    %get3A_30 = vector.load %arg2[%get3A_26, %get3A_27, %get3A_28, %get3A_29] : memref<1x8x8x4xf32, #tpu.memory_space<vmem>>, vector<1x8x8x4xf32>
    %get3A_31 = vector.shape_cast %get3A_30 : vector<1x8x8x4xf32> to vector<8x8x4xf32>
    %slice3A = vector.extract_strided_slice %get3A_31 {offsets = [0, 0, 0], sizes = [8, 8, 1], strides = [1, 1, 1]} : vector<8x8x4xf32> to vector<8x8x1xf32>
    %slice3A_32 = vector.extract_strided_slice %get3A_31 {offsets = [0, 0, 1], sizes = [8, 8, 1], strides = [1, 1, 1]} : vector<8x8x4xf32> to vector<8x8x1xf32>
    %slice3A_33 = vector.extract_strided_slice %get3A_31 {offsets = [0, 0, 2], sizes = [8, 8, 1], strides = [1, 1, 1]} : vector<8x8x4xf32> to vector<8x8x1xf32>
    %slice3A_34 = vector.extract_strided_slice %get3A_31 {offsets = [0, 0, 3], sizes = [8, 8, 1], strides = [1, 1, 1]} : vector<8x8x4xf32> to vector<8x8x1xf32>
    %get3A_35 = arith.constant 0 : index
    %get3A_36 = arith.constant 0 : index
    %get3A_37 = arith.constant 0 : index
    %get3A_38 = arith.constant 0 : index
    %get3A_39 = vector.load %arg3[%get3A_35, %get3A_36, %get3A_37, %get3A_38] : memref<1x8x8x1xf32, #tpu.memory_space<vmem>>, vector<1x8x8x1xf32>
    %get3A_40 = vector.shape_cast %get3A_39 : vector<1x8x8x1xf32> to vector<8x8x1xf32>
    %broadcast_in_dim3A = vector.shape_cast %sub3A : vector<1x8704xf32> to vector<1x1x8704xf32>
    %max3A = vector.broadcast %slice3A : vector<8x8x1xf32> to vector<8x8x8704xf32>
    %max3A_41 = vector.broadcast %broadcast_in_dim3A : vector<1x1x8704xf32> to vector<8x8x8704xf32>
    %max3A_42 = arith.maximumf %max3A, %max3A_41 : vector<8x8x8704xf32>
    %broadcast_in_dim3A_43 = vector.shape_cast %sub3A_16 : vector<1x8704xf32> to vector<1x1x8704xf32>
    %max3A_44 = vector.broadcast %slice3A_32 : vector<8x8x1xf32> to vector<8x8x8704xf32>
    %max3A_45 = vector.broadcast %broadcast_in_dim3A_43 : vector<1x1x8704xf32> to vector<8x8x8704xf32>
    %max3A_46 = arith.maximumf %max3A_44, %max3A_45 : vector<8x8x8704xf32>
    %broadcast_in_dim3A_47 = vector.shape_cast %add3A : vector<1x8704xf32> to vector<1x1x8704xf32>
    %min3A = vector.broadcast %slice3A_33 : vector<8x8x1xf32> to vector<8x8x8704xf32>
    %min3A_48 = vector.broadcast %broadcast_in_dim3A_47 : vector<1x1x8704xf32> to vector<8x8x8704xf32>
    %min3A_49 = arith.minimumf %min3A, %min3A_48 : vector<8x8x8704xf32>
    %broadcast_in_dim3A_50 = vector.shape_cast %add3A_23 : vector<1x8704xf32> to vector<1x1x8704xf32>
    %min3A_51 = vector.broadcast %slice3A_34 : vector<8x8x1xf32> to vector<8x8x8704xf32>
    %min3A_52 = vector.broadcast %broadcast_in_dim3A_50 : vector<1x1x8704xf32> to vector<8x8x8704xf32>
    %min3A_53 = arith.minimumf %min3A_51, %min3A_52 : vector<8x8x8704xf32>
    %sub3A_54 = arith.subf %min3A_49, %max3A_42 : vector<8x8x8704xf32>
    %max3A_55 = arith.constant 0.000000e+00 : f32
    %max3A_56 = vector.broadcast %max3A_55 : f32 to vector<8x8x8704xf32>
    %max3A_57 = arith.maximumf %sub3A_54, %max3A_56 : vector<8x8x8704xf32>
    %sub3A_58 = arith.subf %min3A_53, %max3A_46 : vector<8x8x8704xf32>
    %max3A_59 = arith.constant 0.000000e+00 : f32
    %max3A_60 = vector.broadcast %max3A_59 : f32 to vector<8x8x8704xf32>
    %max3A_61 = arith.maximumf %sub3A_58, %max3A_60 : vector<8x8x8704xf32>
    %mul3A_62 = arith.mulf %max3A_57, %max3A_61 : vector<8x8x8704xf32>
    %sub3A_63 = arith.subf %slice3A_33, %slice3A : vector<8x8x1xf32>
    %sub3A_64 = arith.subf %slice3A_34, %slice3A_32 : vector<8x8x1xf32>
    %mul3A_65 = arith.mulf %sub3A_63, %sub3A_64 : vector<8x8x1xf32>
    %sub3A_66 = arith.subf %add3A, %sub3A : vector<1x8704xf32>
    %sub3A_67 = arith.subf %add3A_23, %sub3A_16 : vector<1x8704xf32>
    %mul3A_68 = arith.mulf %sub3A_66, %sub3A_67 : vector<1x8704xf32>
    %broadcast_in_dim3A_69 = vector.shape_cast %mul3A_68 : vector<1x8704xf32> to vector<1x1x8704xf32>
    %add3A_70 = vector.broadcast %mul3A_65 : vector<8x8x1xf32> to vector<8x8x8704xf32>
    %add3A_71 = vector.broadcast %broadcast_in_dim3A_69 : vector<1x1x8704xf32> to vector<8x8x8704xf32>
    %add3A_72 = arith.addf %add3A_70, %add3A_71 : vector<8x8x8704xf32>
    %sub3A_73 = arith.subf %add3A_72, %mul3A_62 : vector<8x8x8704xf32>
    %add3A_74 = arith.constant 1.000000e-10 : f32
    %add3A_75 = vector.broadcast %add3A_74 : f32 to vector<8x8x8704xf32>
    %add3A_76 = arith.addf %sub3A_73, %add3A_75 : vector<8x8x8704xf32>
    %div3A = arith.divf %mul3A_62, %add3A_76 : vector<8x8x8704xf32>
    %iota3A_77 = tpu.iota {dimensions = array<i32: 1>} : vector<8x8x8704xi32>
    %iota3A_78 = tpu.iota {dimensions = array<i32: 2>} : vector<8x8x8704xi32>
    %reduce_max3A = arith.constant dense<0xFF800000> : vector<8x8704xf32>
    %reduce_max3A_79 = vector.multi_reduction <maximumf>, %div3A, %reduce_max3A [1] : vector<8x8x8704xf32> to vector<8x8704xf32>
    %broadcast_in_dim3A_80 = vector.shape_cast %reduce_max3A_79 : vector<8x8704xf32> to vector<8x1x8704xf32>
    %eq3A = vector.broadcast %broadcast_in_dim3A_80 : vector<8x1x8704xf32> to vector<8x8x8704xf32>
    %eq3A_81 = arith.cmpf oeq, %div3A, %eq3A : vector<8x8x8704xf32>
    %jit3A = arith.constant 8 : i32
    %broadcast_in_dim3A_82 = vector.broadcast %jit3A : i32 to vector<8x8x8704xi32>
    %select_n3A = arith.select %eq3A_81, %iota3A_77, %broadcast_in_dim3A_82 : vector<8x8x8704xi1>, vector<8x8x8704xi32>
    %reduce_min3A = arith.constant dense<2147483647> : vector<8x8704xi32>
    %reduce_min3A_83 = vector.multi_reduction <minsi>, %select_n3A, %reduce_min3A [1] : vector<8x8x8704xi32> to vector<8x8704xi32>
    %broadcast_in_dim3A_84 = vector.shape_cast %reduce_min3A_83 : vector<8x8704xi32> to vector<8x1x8704xi32>
    %reduce_max3A_85 = arith.constant dense<0xFF800000> : vector<8x8xf32>
    %reduce_max3A_86 = vector.multi_reduction <maximumf>, %div3A, %reduce_max3A_85 [2] : vector<8x8x8704xf32> to vector<8x8xf32>
    %broadcast_in_dim3A_87 = vector.shape_cast %reduce_max3A_86 : vector<8x8xf32> to vector<8x8x1xf32>
    %eq3A_88 = vector.broadcast %broadcast_in_dim3A_87 : vector<8x8x1xf32> to vector<8x8x8704xf32>
    %eq3A_89 = arith.cmpf oeq, %div3A, %eq3A_88 : vector<8x8x8704xf32>
    %jit3A_90 = arith.constant 8704 : i32
    %broadcast_in_dim3A_91 = vector.broadcast %jit3A_90 : i32 to vector<8x8x8704xi32>
    %select_n3A_92 = arith.select %eq3A_89, %iota3A_78, %broadcast_in_dim3A_91 : vector<8x8x8704xi1>, vector<8x8x8704xi32>
    %reduce_min3A_93 = arith.constant dense<2147483647> : vector<8x8xi32>
    %reduce_min3A_94 = vector.multi_reduction <minsi>, %select_n3A_92, %reduce_min3A_93 [2] : vector<8x8x8704xi32> to vector<8x8xi32>
    %broadcast_in_dim3A_95 = vector.shape_cast %reduce_min3A_94 : vector<8x8xi32> to vector<8x8x1xi32>
    %eq3A_96 = vector.broadcast %broadcast_in_dim3A_95 : vector<8x8x1xi32> to vector<8x8x8704xi32>
    %eq3A_97 = arith.cmpi eq, %iota3A_78, %eq3A_96 : vector<8x8x8704xi32>
    %gt3A = arith.constant 0.000000e+00 : f32
    %gt3A_98 = vector.broadcast %gt3A : f32 to vector<8x8x1xf32>
    %gt3A_99 = arith.cmpf ogt, %broadcast_in_dim3A_87, %gt3A_98 : vector<8x8x1xf32>
    %convert_element_type3A = arith.extui %gt3A_99 : vector<8x8x1xi1> to vector<8x8x1xi32>
    %add3A_100 = arith.addi %iota3A_77, %iota3A_77 : vector<8x8x8704xi32>
    %add3A_101 = vector.broadcast %convert_element_type3A : vector<8x8x1xi32> to vector<8x8x8704xi32>
    %add3A_102 = arith.addi %add3A_100, %add3A_101 : vector<8x8x8704xi32>
    %jit3A_103 = arith.constant -1 : i32
    %broadcast_in_dim3A_104 = vector.broadcast %jit3A_103 : i32 to vector<8x8x8704xi32>
    %select_n3A_105 = arith.select %eq3A_97, %add3A_102, %broadcast_in_dim3A_104 : vector<8x8x8704xi1>, vector<8x8x8704xi32>
    %reduce_max3A_106 = arith.constant dense<-2147483648> : vector<8x8704xi32>
    %reduce_max3A_107 = vector.multi_reduction <maxsi>, %select_n3A_105, %reduce_max3A_106 [1] : vector<8x8x8704xi32> to vector<8x8704xi32>
    %broadcast_in_dim3A_108 = vector.shape_cast %reduce_max3A_107 : vector<8x8704xi32> to vector<8x1x8704xi32>
    %ge3A = arith.constant 0 : i32
    %ge3A_109 = vector.broadcast %ge3A : i32 to vector<8x1x8704xi32>
    %ge3A_110 = arith.cmpi sge, %broadcast_in_dim3A_108, %ge3A_109 : vector<8x1x8704xi32>
    %and3A = arith.constant 1 : i32
    %and3A_111 = vector.broadcast %and3A : i32 to vector<8x1x8704xi32>
    %and3A_112 = arith.andi %broadcast_in_dim3A_108, %and3A_111 : vector<8x1x8704xi32>
    %eq3A_113 = arith.constant 1 : i32
    %eq3A_114 = vector.broadcast %eq3A_113 : i32 to vector<8x1x8704xi32>
    %eq3A_115 = arith.cmpi eq, %and3A_112, %eq3A_114 : vector<8x1x8704xi32>
    %and3A_116 = arith.andi %ge3A_110, %eq3A_115 : vector<8x1x8704xi1>
    %jit3A_117 = arith.constant 1.000000e+00 : f32
    %broadcast_in_dim3A_118 = vector.broadcast %jit3A_117 : f32 to vector<8x1x8704xf32>
    %select_n3A_119 = arith.select %and3A_116, %broadcast_in_dim3A_118, %broadcast_in_dim3A_80 : vector<8x1x8704xi1>, vector<8x1x8704xf32>
    %shift_right_arithmetic3A = arith.constant 1 : i32
    %shift_right_arithmetic3A_120 = vector.broadcast %shift_right_arithmetic3A : i32 to vector<8x1x8704xi32>
    %shift_right_arithmetic3A_121 = arith.shrsi %broadcast_in_dim3A_108, %shift_right_arithmetic3A_120 : vector<8x1x8704xi32>
    %select_n3A_122 = arith.select %and3A_116, %shift_right_arithmetic3A_121, %broadcast_in_dim3A_84 : vector<8x1x8704xi1>, vector<8x1x8704xi32>
    %squeeze3A = vector.shape_cast %select_n3A_122 : vector<8x1x8704xi32> to vector<8x8704xi32>
    %and3A_123 = arith.constant 1 : i32
    %and3A_124 = vector.broadcast %and3A_123 : i32 to vector<8x8704xi32>
    %and3A_125 = arith.andi %squeeze3A, %and3A_124 : vector<8x8704xi32>
    %eq3A_126 = arith.constant 1 : i32
    %eq3A_127 = vector.broadcast %eq3A_126 : i32 to vector<8x8704xi32>
    %eq3A_128 = arith.cmpi eq, %and3A_125, %eq3A_127 : vector<8x8704xi32>
    %and3A_129 = arith.constant 2 : i32
    %and3A_130 = vector.broadcast %and3A_129 : i32 to vector<8x8704xi32>
    %and3A_131 = arith.andi %squeeze3A, %and3A_130 : vector<8x8704xi32>
    %eq3A_132 = arith.constant 2 : i32
    %eq3A_133 = vector.broadcast %eq3A_132 : i32 to vector<8x8704xi32>
    %eq3A_134 = arith.cmpi eq, %and3A_131, %eq3A_133 : vector<8x8704xi32>
    %and3A_135 = arith.constant 4 : i32
    %and3A_136 = vector.broadcast %and3A_135 : i32 to vector<8x8704xi32>
    %and3A_137 = arith.andi %squeeze3A, %and3A_136 : vector<8x8704xi32>
    %eq3A_138 = arith.constant 4 : i32
    %eq3A_139 = vector.broadcast %eq3A_138 : i32 to vector<8x8704xi32>
    %eq3A_140 = arith.cmpi eq, %and3A_137, %eq3A_139 : vector<8x8704xi32>
    %slice3A_141 = vector.extract_strided_slice %get3A_40 {offsets = [0, 0, 0], sizes = [8, 1, 1], strides = [1, 1, 1]} : vector<8x8x1xf32> to vector<8x1x1xf32>
    %squeeze3A_142 = vector.shape_cast %slice3A_141 : vector<8x1x1xf32> to vector<8x1xf32>
    %slice3A_143 = vector.extract_strided_slice %get3A_40 {offsets = [0, 1, 0], sizes = [8, 1, 1], strides = [1, 1, 1]} : vector<8x8x1xf32> to vector<8x1x1xf32>
    %squeeze3A_144 = vector.shape_cast %slice3A_143 : vector<8x1x1xf32> to vector<8x1xf32>
    %slice3A_145 = vector.extract_strided_slice %get3A_40 {offsets = [0, 2, 0], sizes = [8, 1, 1], strides = [1, 1, 1]} : vector<8x8x1xf32> to vector<8x1x1xf32>
    %squeeze3A_146 = vector.shape_cast %slice3A_145 : vector<8x1x1xf32> to vector<8x1xf32>
    %slice3A_147 = vector.extract_strided_slice %get3A_40 {offsets = [0, 3, 0], sizes = [8, 1, 1], strides = [1, 1, 1]} : vector<8x8x1xf32> to vector<8x1x1xf32>
    %squeeze3A_148 = vector.shape_cast %slice3A_147 : vector<8x1x1xf32> to vector<8x1xf32>
    %slice3A_149 = vector.extract_strided_slice %get3A_40 {offsets = [0, 4, 0], sizes = [8, 1, 1], strides = [1, 1, 1]} : vector<8x8x1xf32> to vector<8x1x1xf32>
    %squeeze3A_150 = vector.shape_cast %slice3A_149 : vector<8x1x1xf32> to vector<8x1xf32>
    %slice3A_151 = vector.extract_strided_slice %get3A_40 {offsets = [0, 5, 0], sizes = [8, 1, 1], strides = [1, 1, 1]} : vector<8x8x1xf32> to vector<8x1x1xf32>
    %squeeze3A_152 = vector.shape_cast %slice3A_151 : vector<8x1x1xf32> to vector<8x1xf32>
    %slice3A_153 = vector.extract_strided_slice %get3A_40 {offsets = [0, 6, 0], sizes = [8, 1, 1], strides = [1, 1, 1]} : vector<8x8x1xf32> to vector<8x1x1xf32>
    %squeeze3A_154 = vector.shape_cast %slice3A_153 : vector<8x1x1xf32> to vector<8x1xf32>
    %slice3A_155 = vector.extract_strided_slice %get3A_40 {offsets = [0, 7, 0], sizes = [8, 1, 1], strides = [1, 1, 1]} : vector<8x8x1xf32> to vector<8x1x1xf32>
    %squeeze3A_156 = vector.shape_cast %slice3A_155 : vector<8x1x1xf32> to vector<8x1xf32>
    %broadcast_in_dim3A_157 = vector.shape_cast %squeeze3A_144 : vector<8x1xf32> to vector<8x1xf32>
    %broadcast_in_dim3A_158 = vector.broadcast %broadcast_in_dim3A_157 : vector<8x1xf32> to vector<8x8704xf32>
    %broadcast_in_dim3A_159 = vector.shape_cast %squeeze3A_142 : vector<8x1xf32> to vector<8x1xf32>
    %broadcast_in_dim3A_160 = vector.broadcast %broadcast_in_dim3A_159 : vector<8x1xf32> to vector<8x8704xf32>
    %select_n3A_161 = arith.select %eq3A_128, %broadcast_in_dim3A_158, %broadcast_in_dim3A_160 : vector<8x8704xi1>, vector<8x8704xf32>
    %broadcast_in_dim3A_162 = vector.shape_cast %squeeze3A_148 : vector<8x1xf32> to vector<8x1xf32>
    %broadcast_in_dim3A_163 = vector.broadcast %broadcast_in_dim3A_162 : vector<8x1xf32> to vector<8x8704xf32>
    %broadcast_in_dim3A_164 = vector.shape_cast %squeeze3A_146 : vector<8x1xf32> to vector<8x1xf32>
    %broadcast_in_dim3A_165 = vector.broadcast %broadcast_in_dim3A_164 : vector<8x1xf32> to vector<8x8704xf32>
    %select_n3A_166 = arith.select %eq3A_128, %broadcast_in_dim3A_163, %broadcast_in_dim3A_165 : vector<8x8704xi1>, vector<8x8704xf32>
    %broadcast_in_dim3A_167 = vector.shape_cast %squeeze3A_152 : vector<8x1xf32> to vector<8x1xf32>
    %broadcast_in_dim3A_168 = vector.broadcast %broadcast_in_dim3A_167 : vector<8x1xf32> to vector<8x8704xf32>
    %broadcast_in_dim3A_169 = vector.shape_cast %squeeze3A_150 : vector<8x1xf32> to vector<8x1xf32>
    %broadcast_in_dim3A_170 = vector.broadcast %broadcast_in_dim3A_169 : vector<8x1xf32> to vector<8x8704xf32>
    %select_n3A_171 = arith.select %eq3A_128, %broadcast_in_dim3A_168, %broadcast_in_dim3A_170 : vector<8x8704xi1>, vector<8x8704xf32>
    %broadcast_in_dim3A_172 = vector.shape_cast %squeeze3A_156 : vector<8x1xf32> to vector<8x1xf32>
    %broadcast_in_dim3A_173 = vector.broadcast %broadcast_in_dim3A_172 : vector<8x1xf32> to vector<8x8704xf32>
    %broadcast_in_dim3A_174 = vector.shape_cast %squeeze3A_154 : vector<8x1xf32> to vector<8x1xf32>
    %broadcast_in_dim3A_175 = vector.broadcast %broadcast_in_dim3A_174 : vector<8x1xf32> to vector<8x8704xf32>
    %select_n3A_176 = arith.select %eq3A_128, %broadcast_in_dim3A_173, %broadcast_in_dim3A_175 : vector<8x8704xi1>, vector<8x8704xf32>
    %select_n3A_177 = arith.select %eq3A_134, %select_n3A_166, %select_n3A_161 : vector<8x8704xi1>, vector<8x8704xf32>
    %select_n3A_178 = arith.select %eq3A_134, %select_n3A_176, %select_n3A_171 : vector<8x8704xi1>, vector<8x8704xf32>
    %select_n3A_179 = arith.select %eq3A_140, %select_n3A_178, %select_n3A_177 : vector<8x8704xi1>, vector<8x8704xf32>
    %squeeze3A_180 = vector.shape_cast %select_n3A_119 : vector<8x1x8704xf32> to vector<8x8704xf32>
    %lt3A_181 = arith.constant 4.000000e-01 : f32
    %lt3A_182 = vector.broadcast %lt3A_181 : f32 to vector<8x8704xf32>
    %lt3A_183 = arith.cmpf olt, %squeeze3A_180, %lt3A_182 : vector<8x8704xf32>
    %jit3A_184 = arith.constant 0.000000e+00 : f32
    %broadcast_in_dim3A_185 = vector.broadcast %jit3A_184 : f32 to vector<8x8704xf32>
    %select_n3A_186 = arith.select %lt3A_183, %broadcast_in_dim3A_185, %select_n3A_179 : vector<8x8704xi1>, vector<8x8704xf32>
    %mul3A_187 = arith.constant 8 : i32
    %mul3A_188 = arith.muli %arg0, %mul3A_187 : i32
    %swap3A = arith.index_cast %mul3A_188 : i32 to index
    %swap3A_189 = arith.constant 0 : index
    %swap3A_190 = vector.load %arg10[%swap3A, %swap3A_189] : memref<32x8704xf32, #tpu.memory_space<vmem>>, vector<8x8704xf32>
    tpu.vector_store %arg10[%swap3A, %swap3A_189], %select_n3A_186 {strides = array<i32>} : memref<32x8704xf32, #tpu.memory_space<vmem>>, vector<8x8704xf32>,
    %swap3A_191 = arith.constant 0 : index
    %swap3A_192 = arith.constant 0 : index
    %swap3A_193 = vector.load %arg8[%swap3A_191, %swap3A_192] : memref<8x8704xf32, #tpu.memory_space<vmem>>, vector<8x8704xf32>
    tpu.vector_store %arg8[%swap3A_191, %swap3A_192], %select_n3A_186 {strides = array<i32>} : memref<8x8704xf32, #tpu.memory_space<vmem>>, vector<8x8704xf32>,
    %swap3A_194 = arith.constant 0 : index
    %swap3A_195 = arith.constant 0 : index
    %swap3A_196 = vector.load %arg9[%swap3A_194, %swap3A_195] : memref<8x8704xi32, #tpu.memory_space<vmem>>, vector<8x8704xi32>
    tpu.vector_store %arg9[%swap3A_194, %swap3A_195], %squeeze3A {strides = array<i32>} : memref<8x8704xi32, #tpu.memory_space<vmem>>, vector<8x8704xi32>,
    %eq3A_197 = arith.constant 3 : i32
    %eq3A_198 = arith.cmpi eq, %arg0, %eq3A_197 : i32
    %convert_element_type3A_199 = arith.extui %eq3A_198 : i1 to i32
    %cond3A = arith.constant 0 : i32
    %cond3A_200 = arith.cmpi ne, %convert_element_type3A_199, %cond3A : i32
    scf.if %cond3A_200 {
      %get3A_201 = arith.constant 0 : index
      %get3A_202 = arith.constant 0 : index
      %get3A_203 = vector.load %arg10[%get3A_201, %get3A_202] : memref<32x8704xf32, #tpu.memory_space<vmem>>, vector<32x8704xf32>
      %gt3A_204 = arith.constant 0.000000e+00 : f32
      %gt3A_205 = vector.broadcast %gt3A_204 : f32 to vector<32x8704xf32>
      %gt3A_206 = arith.cmpf ogt, %get3A_203, %gt3A_205 : vector<32x8704xf32>
      %convert_element_type3A_207 = arith.extui %gt3A_206 : vector<32x8704xi1> to vector<32x8704xi32>
      %convert_element_type3A_208 = arith.sitofp %convert_element_type3A_207 : vector<32x8704xi32> to vector<32x8704xf32>
      %reduce_sum3A = arith.constant dense<0.000000e+00> : vector<32xf32>
      %reduce_sum3A_209 = vector.multi_reduction <add>, %convert_element_type3A_208, %reduce_sum3A [1] : vector<32x8704xf32> to vector<32xf32>
      %broadcast_in_dim3A_210 = vector.shape_cast %reduce_sum3A_209 : vector<32xf32> to vector<32x1xf32>
      %reduce_sum3A_211 = vector.shape_cast %convert_element_type3A_208 : vector<32x8704xf32> to vector<1x32x8704xf32>
      %reduce_sum3A_212 = arith.constant dense<0.000000e+00> : vector<1xf32>
      %reduce_sum3A_213 = vector.multi_reduction <add>, %reduce_sum3A_211, %reduce_sum3A_212 [1, 2] : vector<1x32x8704xf32> to vector<1xf32>
      %reduce_sum3A_214 = vector.shape_cast %reduce_sum3A_213 : vector<1xf32> to vector<1x1x1xf32>
      %reduce_sum3A_215 = vector.extract %reduce_sum3A_214[0, 0, 0] : f32 from vector<1x1x1xf32>
      %get3A_216 = arith.constant 0 : index
      %get3A_217 = arith.constant 0 : index
      %get3A_218 = arith.constant 0 : index
      %get3A_219 = vector.load %arg1[%get3A_216, %get3A_217, %get3A_218] : memref<2x32x8704xf32, #tpu.memory_space<vmem>>, vector<1x32x8704xf32>
      %get3A_220 = vector.shape_cast %get3A_219 : vector<1x32x8704xf32> to vector<32x8704xf32>
      %get3A_221 = arith.constant 1 : index
      %get3A_222 = arith.constant 0 : index
      %get3A_223 = arith.constant 0 : index
      %get3A_224 = vector.load %arg1[%get3A_221, %get3A_222, %get3A_223] : memref<2x32x8704xf32, #tpu.memory_space<vmem>>, vector<1x32x8704xf32>
      %get3A_225 = vector.shape_cast %get3A_224 : vector<1x32x8704xf32> to vector<32x8704xf32>
      %max3A_226 = arith.maximumf %get3A_220, %get3A_225 : vector<32x8704xf32>
      %sub3A_227 = arith.subf %get3A_220, %max3A_226 : vector<32x8704xf32>
      %exp3A = math.exp %sub3A_227 : vector<32x8704xf32>
      %sub3A_228 = arith.subf %get3A_225, %max3A_226 : vector<32x8704xf32>
      %exp3A_229 = math.exp %sub3A_228 : vector<32x8704xf32>
      %add3A_230 = arith.addf %exp3A, %exp3A_229 : vector<32x8704xf32>
      %log3A = math.log %add3A_230 : vector<32x8704xf32>
      %add3A_231 = arith.addf %max3A_226, %log3A : vector<32x8704xf32>
      %sub3A_232 = arith.subf %get3A_220, %add3A_231 : vector<32x8704xf32>
      %sub3A_233 = arith.subf %get3A_225, %add3A_231 : vector<32x8704xf32>
      %gt3A_234 = arith.constant 0.000000e+00 : f32
      %gt3A_235 = vector.broadcast %gt3A_234 : f32 to vector<32x8704xf32>
      %gt3A_236 = arith.cmpf ogt, %get3A_203, %gt3A_235 : vector<32x8704xf32>
      %select_n3A_237 = arith.select %gt3A_236, %sub3A_233, %sub3A_232 : vector<32x8704xi1>, vector<32x8704xf32>
      %mul3A_238 = arith.constant 0.949999988 : f32
      %mul3A_239 = vector.broadcast %mul3A_238 : f32 to vector<32x8704xf32>
      %mul3A_240 = arith.mulf %mul3A_239, %select_n3A_237 : vector<32x8704xf32>
      %add3A_241 = arith.addf %sub3A_232, %sub3A_233 : vector<32x8704xf32>
      %sub3A_242 = arith.subf %add3A_241, %select_n3A_237 : vector<32x8704xf32>
      %mul3A_243 = arith.constant 5.000000e-02 : f32
      %mul3A_244 = vector.broadcast %mul3A_243 : f32 to vector<32x8704xf32>
      %mul3A_245 = arith.mulf %mul3A_244, %sub3A_242 : vector<32x8704xf32>
      %add3A_246 = arith.addf %mul3A_240, %mul3A_245 : vector<32x8704xf32>
      %neg3A = arith.constant 0.000000e+00 : f32
      %neg3A_247 = vector.broadcast %neg3A : f32 to vector<32x8704xf32>
      %neg3A_248 = arith.subf %neg3A_247, %add3A_246 : vector<32x8704xf32>
      %jit3A_249 = arith.constant 0.000000e+00 : f32
      %broadcast_in_dim3A_250 = vector.broadcast %jit3A_249 : f32 to vector<32x8704xf32>
      %select_n3A_251 = arith.select %gt3A_206, %neg3A_248, %broadcast_in_dim3A_250 : vector<32x8704xi1>, vector<32x8704xf32>
      %reduce_sum3A_252 = vector.shape_cast %select_n3A_251 : vector<32x8704xf32> to vector<1x32x8704xf32>
      %reduce_sum3A_253 = arith.constant dense<0.000000e+00> : vector<1xf32>
      %reduce_sum3A_254 = vector.multi_reduction <add>, %reduce_sum3A_252, %reduce_sum3A_253 [1, 2] : vector<1x32x8704xf32> to vector<1xf32>
      %reduce_sum3A_255 = vector.shape_cast %reduce_sum3A_254 : vector<1xf32> to vector<1x1x1xf32>
      %reduce_sum3A_256 = vector.extract %reduce_sum3A_255[0, 0, 0] : f32 from vector<1x1x1xf32>
      %not3A = arith.constant dense<true> : vector<32x8704xi1>
      %not3A_257 = arith.xori %gt3A_206, %not3A : vector<32x8704xi1>
      %and3A_258 = vector.broadcast %lt3A_25 : vector<1x8704xi1> to vector<32x8704xi1>
      %and3A_259 = arith.andi %and3A_258, %not3A_257 : vector<32x8704xi1>
      %jit3A_260 = arith.constant 0.000000e+00 : f32
      %broadcast_in_dim3A_261 = vector.broadcast %jit3A_260 : f32 to vector<32x8704xf32>
      %select_n3A_262 = arith.select %and3A_259, %neg3A_248, %broadcast_in_dim3A_261 : vector<32x8704xi1>, vector<32x8704xf32>
      %mul3A_263 = arith.constant 3.000000e+00 : f32
      %mul3A_264 = vector.broadcast %mul3A_263 : f32 to vector<32x1xf32>
      %mul3A_265 = arith.mulf %mul3A_264, %broadcast_in_dim3A_210 : vector<32x1xf32>
      %min3A_266 = arith.constant 8.500000e+03 : f32
      %min3A_267 = vector.broadcast %min3A_266 : f32 to vector<32x1xf32>
      %min3A_268 = arith.minimumf %mul3A_265, %min3A_267 : vector<32x1xf32>
      %swap3A_269 = arith.constant 0 : index
      %swap3A_270 = arith.constant 0 : index
      %swap3A_271 = vector.load %arg5[%swap3A_269, %swap3A_270] : memref<32x8704xf32, #tpu.memory_space<vmem>>, vector<32x8704xf32>
      tpu.vector_store %arg5[%swap3A_269, %swap3A_270], %select_n3A_262 {strides = array<i32>} : memref<32x8704xf32, #tpu.memory_space<vmem>>, vector<32x8704xf32>,
      %convert_element_type3A_272 = arith.fptosi %min3A_268 : vector<32x1xf32> to vector<32x1xi32>
      %broadcast_in_dim3A_273 = vector.shape_cast %convert_element_type3A_272 : vector<32x1xi32> to vector<32x1xi32>
      %broadcast_in_dim3A_274 = vector.broadcast %broadcast_in_dim3A_273 : vector<32x1xi32> to vector<32x16xi32>
      %swap3A_275 = arith.constant 0 : index
      %swap3A_276 = arith.constant 0 : index
      %swap3A_277 = vector.load %arg6[%swap3A_275, %swap3A_276] : memref<32x16xi32, #tpu.memory_space<vmem>>, vector<32x16xi32>
      tpu.vector_store %arg6[%swap3A_275, %swap3A_276], %broadcast_in_dim3A_274 {strides = array<i32>} : memref<32x16xi32, #tpu.memory_space<vmem>>, vector<32x16xi32>,
      %iota3A_278 = tpu.iota {dimensions = array<i32: 1>} : vector<1x128xi32>
      %eq3A_279 = arith.constant 0 : i32
      %eq3A_280 = vector.broadcast %eq3A_279 : i32 to vector<1x128xi32>
      %eq3A_281 = arith.cmpi eq, %iota3A_278, %eq3A_280 : vector<1x128xi32>
      %jit3A_282 = arith.constant 0.000000e+00 : f32
      %broadcast_in_dim3A_283 = vector.broadcast %reduce_sum3A_256 : f32 to vector<1x128xf32>
      %broadcast_in_dim3A_284 = vector.broadcast %jit3A_282 : f32 to vector<1x128xf32>
      %select_n3A_285 = arith.select %eq3A_281, %broadcast_in_dim3A_283, %broadcast_in_dim3A_284 : vector<1x128xi1>, vector<1x128xf32>
      %eq3A_286 = arith.constant 2 : i32
      %eq3A_287 = vector.broadcast %eq3A_286 : i32 to vector<1x128xi32>
      %eq3A_288 = arith.cmpi eq, %iota3A_278, %eq3A_287 : vector<1x128xi32>
      %jit3A_289 = arith.constant 0.000000e+00 : f32
      %broadcast_in_dim3A_290 = vector.broadcast %reduce_sum3A_215 : f32 to vector<1x128xf32>
      %broadcast_in_dim3A_291 = vector.broadcast %jit3A_289 : f32 to vector<1x128xf32>
      %select_n3A_292 = arith.select %eq3A_288, %broadcast_in_dim3A_290, %broadcast_in_dim3A_291 : vector<1x128xi1>, vector<1x128xf32>
      %add3A_293 = arith.addf %select_n3A_285, %select_n3A_292 : vector<1x128xf32>
      %swap3A_294 = arith.constant 0 : index
      %swap3A_295 = arith.constant 0 : index
      %swap3A_296 = vector.load %arg7[%swap3A_294, %swap3A_295] : memref<1x128xf32, #tpu.memory_space<vmem>>, vector<1x128xf32>
      tpu.vector_store %arg7[%swap3A_294, %swap3A_295], %add3A_293 {strides = array<i32>} : memref<1x128xf32, #tpu.memory_space<vmem>>, vector<1x128xf32>,
    } else {
    }
    return
  }
  func.func @transform_0(%arg0: i32) -> (i32, i32, i32) {
    %c0_i32 = arith.constant 0 : i32
    %c0_i32_0 = arith.constant 0 : i32
    %c0_i32_1 = arith.constant 0 : i32
    %c0_i32_2 = arith.constant 0 : i32
    return %c0_i32, %c0_i32_0, %c0_i32_1 : i32, i32, i32
  }
  func.func @transform_1(%arg0: i32) -> (i32, i32, i32, i32) {
    %c0_i32 = arith.constant 0 : i32
    %c0_i32_0 = arith.constant 0 : i32
    %c0_i32_1 = arith.constant 0 : i32
    %c0_i32_2 = arith.constant 0 : i32
    return %arg0, %c0_i32, %c0_i32_0, %c0_i32_1 : i32, i32, i32, i32
  }
  func.func @transform_2(%arg0: i32) -> (i32, i32, i32, i32) {
    %c0_i32 = arith.constant 0 : i32
    %c0_i32_0 = arith.constant 0 : i32
    %c0_i32_1 = arith.constant 0 : i32
    %c0_i32_2 = arith.constant 0 : i32
    return %arg0, %c0_i32, %c0_i32_0, %c0_i32_1 : i32, i32, i32, i32
  }
  func.func @transform_3(%arg0: i32) -> (i32, i32) {
    %c0_i32 = arith.constant 0 : i32
    %c0_i32_0 = arith.constant 0 : i32
    %c0_i32_1 = arith.constant 0 : i32
    return %c0_i32, %c0_i32_0 : i32, i32
  }
  func.func @transform_4(%arg0: i32) -> (i32, i32) {
    %c0_i32 = arith.constant 0 : i32
    %c0_i32_0 = arith.constant 0 : i32
    %c0_i32_1 = arith.constant 0 : i32
    return %c0_i32, %c0_i32_0 : i32, i32
  }
  func.func @transform_5(%arg0: i32) -> (i32, i32) {
    %c0_i32 = arith.constant 0 : i32
    %c0_i32_0 = arith.constant 0 : i32
    %c0_i32_1 = arith.constant 0 : i32
    return %c0_i32, %c0_i32_0 : i32, i32
  }
  func.func @transform_6(%arg0: i32) -> (i32, i32) {
    %c0_i32 = arith.constant 0 : i32
    %c0_i32_0 = arith.constant 0 : i32
    %c0_i32_1 = arith.constant 0 : i32
    return %c0_i32, %c0_i32_0 : i32, i32
  }
  func.func @transform_7(%arg0: i32) -> (i32, i32) {
    %c0_i32 = arith.constant 0 : i32
    %c0_i32_0 = arith.constant 0 : i32
    return %arg0, %c0_i32 : i32, i32
  }
  func.func @transform_8(%arg0: i32) -> (i32, i32) {
    %c0_i32 = arith.constant 0 : i32
    %c0_i32_0 = arith.constant 0 : i32
    return %arg0, %c0_i32 : i32, i32
  }
}

module attributes {stable_mosaic.version = 14 : i64} {
  func.func @_loc_kernel(%arg0: i32, %arg1: memref<4x32x8704xf32, #tpu.memory_space<vmem>>, %arg2: memref<4x8704xf32, #tpu.memory_space<vmem>>, %arg3: memref<32x8x4xf32, #tpu.memory_space<vmem>>, %arg4: memref<32x8704xf32, #tpu.memory_space<vmem>>, %arg5: memref<32x8704xi32, #tpu.memory_space<vmem>>, %arg6: memref<1x128xf32, #tpu.memory_space<vmem>>) attributes {dimension_semantics = [#tpu.dimension_semantics<arbitrary>], iteration_bounds = array<i64: 1>, scalar_prefetch = 0 : i64, scratch_operands = 0 : i64, tpu.core_type = #tpu.core_type<tc>, window_params = [{pipeline_mode = #tpu.pipeline_mode<synchronous>, transform_indices = @transform_0, window_bounds = array<i64: 4, 32, 8704>}, {pipeline_mode = #tpu.pipeline_mode<synchronous>, transform_indices = @transform_1, window_bounds = array<i64: 4, 8704>}, {pipeline_mode = #tpu.pipeline_mode<synchronous>, transform_indices = @transform_2, window_bounds = array<i64: 32, 8, 4>}, {pipeline_mode = #tpu.pipeline_mode<synchronous>, transform_indices = @transform_3, window_bounds = array<i64: 32, 8704>}, {pipeline_mode = #tpu.pipeline_mode<synchronous>, transform_indices = @transform_4, window_bounds = array<i64: 32, 8704>}, {pipeline_mode = #tpu.pipeline_mode<synchronous>, transform_indices = @transform_5, window_bounds = array<i64: 1, 128>}]} {
    %get3A = arith.constant 0 : index
    %get3A_0 = arith.constant 0 : index
    %get3A_1 = vector.load %arg2[%get3A, %get3A_0] : memref<4x8704xf32, #tpu.memory_space<vmem>>, vector<1x8704xf32>
    %get3A_2 = arith.constant 1 : index
    %get3A_3 = arith.constant 0 : index
    %get3A_4 = vector.load %arg2[%get3A_2, %get3A_3] : memref<4x8704xf32, #tpu.memory_space<vmem>>, vector<1x8704xf32>
    %get3A_5 = arith.constant 2 : index
    %get3A_6 = arith.constant 0 : index
    %get3A_7 = vector.load %arg2[%get3A_5, %get3A_6] : memref<4x8704xf32, #tpu.memory_space<vmem>>, vector<1x8704xf32>
    %get3A_8 = arith.constant 3 : index
    %get3A_9 = arith.constant 0 : index
    %get3A_10 = vector.load %arg2[%get3A_8, %get3A_9] : memref<4x8704xf32, #tpu.memory_space<vmem>>, vector<1x8704xf32>
    %get3A_11 = arith.constant 0 : index
    %get3A_12 = arith.constant 0 : index
    %get3A_13 = vector.load %arg4[%get3A_11, %get3A_12] : memref<32x8704xf32, #tpu.memory_space<vmem>>, vector<32x8704xf32>
    %gt3A = arith.constant 0.000000e+00 : f32
    %gt3A_14 = vector.broadcast %gt3A : f32 to vector<32x8704xf32>
    %gt3A_15 = arith.cmpf ogt, %get3A_13, %gt3A_14 : vector<32x8704xf32>
    %get3A_16 = arith.constant 0 : index
    %get3A_17 = arith.constant 0 : index
    %get3A_18 = vector.load %arg5[%get3A_16, %get3A_17] : memref<32x8704xi32, #tpu.memory_space<vmem>>, vector<32x8704xi32>
    %and3A = arith.constant 1 : i32
    %and3A_19 = vector.broadcast %and3A : i32 to vector<32x8704xi32>
    %and3A_20 = arith.andi %get3A_18, %and3A_19 : vector<32x8704xi32>
    %eq3A = arith.constant 1 : i32
    %eq3A_21 = vector.broadcast %eq3A : i32 to vector<32x8704xi32>
    %eq3A_22 = arith.cmpi eq, %and3A_20, %eq3A_21 : vector<32x8704xi32>
    %and3A_23 = arith.constant 2 : i32
    %and3A_24 = vector.broadcast %and3A_23 : i32 to vector<32x8704xi32>
    %and3A_25 = arith.andi %get3A_18, %and3A_24 : vector<32x8704xi32>
    %eq3A_26 = arith.constant 2 : i32
    %eq3A_27 = vector.broadcast %eq3A_26 : i32 to vector<32x8704xi32>
    %eq3A_28 = arith.cmpi eq, %and3A_25, %eq3A_27 : vector<32x8704xi32>
    %and3A_29 = arith.constant 4 : i32
    %and3A_30 = vector.broadcast %and3A_29 : i32 to vector<32x8704xi32>
    %and3A_31 = arith.andi %get3A_18, %and3A_30 : vector<32x8704xi32>
    %eq3A_32 = arith.constant 4 : i32
    %eq3A_33 = vector.broadcast %eq3A_32 : i32 to vector<32x8704xi32>
    %eq3A_34 = arith.cmpi eq, %and3A_31, %eq3A_33 : vector<32x8704xi32>
    %get3A_35 = arith.constant 0 : index
    %get3A_36 = arith.constant 0 : index
    %get3A_37 = arith.constant 0 : index
    %get3A_38 = vector.load %arg3[%get3A_35, %get3A_36, %get3A_37] : memref<32x8x4xf32, #tpu.memory_space<vmem>>, vector<32x8x4xf32>
    %slice3A = vector.extract_strided_slice %get3A_38 {offsets = [0, 0, 0], sizes = [32, 8, 1], strides = [1, 1, 1]} : vector<32x8x4xf32> to vector<32x8x1xf32>
    %slice3A_39 = vector.extract_strided_slice %slice3A {offsets = [0, 0, 0], sizes = [32, 1, 1], strides = [1, 1, 1]} : vector<32x8x1xf32> to vector<32x1x1xf32>
    %squeeze3A = vector.shape_cast %slice3A_39 : vector<32x1x1xf32> to vector<32x1xf32>
    %slice3A_40 = vector.extract_strided_slice %slice3A {offsets = [0, 1, 0], sizes = [32, 1, 1], strides = [1, 1, 1]} : vector<32x8x1xf32> to vector<32x1x1xf32>
    %squeeze3A_41 = vector.shape_cast %slice3A_40 : vector<32x1x1xf32> to vector<32x1xf32>
    %slice3A_42 = vector.extract_strided_slice %slice3A {offsets = [0, 2, 0], sizes = [32, 1, 1], strides = [1, 1, 1]} : vector<32x8x1xf32> to vector<32x1x1xf32>
    %squeeze3A_43 = vector.shape_cast %slice3A_42 : vector<32x1x1xf32> to vector<32x1xf32>
    %slice3A_44 = vector.extract_strided_slice %slice3A {offsets = [0, 3, 0], sizes = [32, 1, 1], strides = [1, 1, 1]} : vector<32x8x1xf32> to vector<32x1x1xf32>
    %squeeze3A_45 = vector.shape_cast %slice3A_44 : vector<32x1x1xf32> to vector<32x1xf32>
    %slice3A_46 = vector.extract_strided_slice %slice3A {offsets = [0, 4, 0], sizes = [32, 1, 1], strides = [1, 1, 1]} : vector<32x8x1xf32> to vector<32x1x1xf32>
    %squeeze3A_47 = vector.shape_cast %slice3A_46 : vector<32x1x1xf32> to vector<32x1xf32>
    %slice3A_48 = vector.extract_strided_slice %slice3A {offsets = [0, 5, 0], sizes = [32, 1, 1], strides = [1, 1, 1]} : vector<32x8x1xf32> to vector<32x1x1xf32>
    %squeeze3A_49 = vector.shape_cast %slice3A_48 : vector<32x1x1xf32> to vector<32x1xf32>
    %slice3A_50 = vector.extract_strided_slice %slice3A {offsets = [0, 6, 0], sizes = [32, 1, 1], strides = [1, 1, 1]} : vector<32x8x1xf32> to vector<32x1x1xf32>
    %squeeze3A_51 = vector.shape_cast %slice3A_50 : vector<32x1x1xf32> to vector<32x1xf32>
    %slice3A_52 = vector.extract_strided_slice %slice3A {offsets = [0, 7, 0], sizes = [32, 1, 1], strides = [1, 1, 1]} : vector<32x8x1xf32> to vector<32x1x1xf32>
    %squeeze3A_53 = vector.shape_cast %slice3A_52 : vector<32x1x1xf32> to vector<32x1xf32>
    %broadcast_in_dim3A = vector.shape_cast %squeeze3A_41 : vector<32x1xf32> to vector<32x1xf32>
    %broadcast_in_dim3A_54 = vector.broadcast %broadcast_in_dim3A : vector<32x1xf32> to vector<32x8704xf32>
    %broadcast_in_dim3A_55 = vector.shape_cast %squeeze3A : vector<32x1xf32> to vector<32x1xf32>
    %broadcast_in_dim3A_56 = vector.broadcast %broadcast_in_dim3A_55 : vector<32x1xf32> to vector<32x8704xf32>
    %select_n3A = arith.select %eq3A_22, %broadcast_in_dim3A_54, %broadcast_in_dim3A_56 : vector<32x8704xi1>, vector<32x8704xf32>
    %broadcast_in_dim3A_57 = vector.shape_cast %squeeze3A_45 : vector<32x1xf32> to vector<32x1xf32>
    %broadcast_in_dim3A_58 = vector.broadcast %broadcast_in_dim3A_57 : vector<32x1xf32> to vector<32x8704xf32>
    %broadcast_in_dim3A_59 = vector.shape_cast %squeeze3A_43 : vector<32x1xf32> to vector<32x1xf32>
    %broadcast_in_dim3A_60 = vector.broadcast %broadcast_in_dim3A_59 : vector<32x1xf32> to vector<32x8704xf32>
    %select_n3A_61 = arith.select %eq3A_22, %broadcast_in_dim3A_58, %broadcast_in_dim3A_60 : vector<32x8704xi1>, vector<32x8704xf32>
    %broadcast_in_dim3A_62 = vector.shape_cast %squeeze3A_49 : vector<32x1xf32> to vector<32x1xf32>
    %broadcast_in_dim3A_63 = vector.broadcast %broadcast_in_dim3A_62 : vector<32x1xf32> to vector<32x8704xf32>
    %broadcast_in_dim3A_64 = vector.shape_cast %squeeze3A_47 : vector<32x1xf32> to vector<32x1xf32>
    %broadcast_in_dim3A_65 = vector.broadcast %broadcast_in_dim3A_64 : vector<32x1xf32> to vector<32x8704xf32>
    %select_n3A_66 = arith.select %eq3A_22, %broadcast_in_dim3A_63, %broadcast_in_dim3A_65 : vector<32x8704xi1>, vector<32x8704xf32>
    %broadcast_in_dim3A_67 = vector.shape_cast %squeeze3A_53 : vector<32x1xf32> to vector<32x1xf32>
    %broadcast_in_dim3A_68 = vector.broadcast %broadcast_in_dim3A_67 : vector<32x1xf32> to vector<32x8704xf32>
    %broadcast_in_dim3A_69 = vector.shape_cast %squeeze3A_51 : vector<32x1xf32> to vector<32x1xf32>
    %broadcast_in_dim3A_70 = vector.broadcast %broadcast_in_dim3A_69 : vector<32x1xf32> to vector<32x8704xf32>
    %select_n3A_71 = arith.select %eq3A_22, %broadcast_in_dim3A_68, %broadcast_in_dim3A_70 : vector<32x8704xi1>, vector<32x8704xf32>
    %select_n3A_72 = arith.select %eq3A_28, %select_n3A_61, %select_n3A : vector<32x8704xi1>, vector<32x8704xf32>
    %select_n3A_73 = arith.select %eq3A_28, %select_n3A_71, %select_n3A_66 : vector<32x8704xi1>, vector<32x8704xf32>
    %select_n3A_74 = arith.select %eq3A_34, %select_n3A_73, %select_n3A_72 : vector<32x8704xi1>, vector<32x8704xf32>
    %slice3A_75 = vector.extract_strided_slice %get3A_38 {offsets = [0, 0, 1], sizes = [32, 8, 1], strides = [1, 1, 1]} : vector<32x8x4xf32> to vector<32x8x1xf32>
    %slice3A_76 = vector.extract_strided_slice %slice3A_75 {offsets = [0, 0, 0], sizes = [32, 1, 1], strides = [1, 1, 1]} : vector<32x8x1xf32> to vector<32x1x1xf32>
    %squeeze3A_77 = vector.shape_cast %slice3A_76 : vector<32x1x1xf32> to vector<32x1xf32>
    %slice3A_78 = vector.extract_strided_slice %slice3A_75 {offsets = [0, 1, 0], sizes = [32, 1, 1], strides = [1, 1, 1]} : vector<32x8x1xf32> to vector<32x1x1xf32>
    %squeeze3A_79 = vector.shape_cast %slice3A_78 : vector<32x1x1xf32> to vector<32x1xf32>
    %slice3A_80 = vector.extract_strided_slice %slice3A_75 {offsets = [0, 2, 0], sizes = [32, 1, 1], strides = [1, 1, 1]} : vector<32x8x1xf32> to vector<32x1x1xf32>
    %squeeze3A_81 = vector.shape_cast %slice3A_80 : vector<32x1x1xf32> to vector<32x1xf32>
    %slice3A_82 = vector.extract_strided_slice %slice3A_75 {offsets = [0, 3, 0], sizes = [32, 1, 1], strides = [1, 1, 1]} : vector<32x8x1xf32> to vector<32x1x1xf32>
    %squeeze3A_83 = vector.shape_cast %slice3A_82 : vector<32x1x1xf32> to vector<32x1xf32>
    %slice3A_84 = vector.extract_strided_slice %slice3A_75 {offsets = [0, 4, 0], sizes = [32, 1, 1], strides = [1, 1, 1]} : vector<32x8x1xf32> to vector<32x1x1xf32>
    %squeeze3A_85 = vector.shape_cast %slice3A_84 : vector<32x1x1xf32> to vector<32x1xf32>
    %slice3A_86 = vector.extract_strided_slice %slice3A_75 {offsets = [0, 5, 0], sizes = [32, 1, 1], strides = [1, 1, 1]} : vector<32x8x1xf32> to vector<32x1x1xf32>
    %squeeze3A_87 = vector.shape_cast %slice3A_86 : vector<32x1x1xf32> to vector<32x1xf32>
    %slice3A_88 = vector.extract_strided_slice %slice3A_75 {offsets = [0, 6, 0], sizes = [32, 1, 1], strides = [1, 1, 1]} : vector<32x8x1xf32> to vector<32x1x1xf32>
    %squeeze3A_89 = vector.shape_cast %slice3A_88 : vector<32x1x1xf32> to vector<32x1xf32>
    %slice3A_90 = vector.extract_strided_slice %slice3A_75 {offsets = [0, 7, 0], sizes = [32, 1, 1], strides = [1, 1, 1]} : vector<32x8x1xf32> to vector<32x1x1xf32>
    %squeeze3A_91 = vector.shape_cast %slice3A_90 : vector<32x1x1xf32> to vector<32x1xf32>
    %broadcast_in_dim3A_92 = vector.shape_cast %squeeze3A_79 : vector<32x1xf32> to vector<32x1xf32>
    %broadcast_in_dim3A_93 = vector.broadcast %broadcast_in_dim3A_92 : vector<32x1xf32> to vector<32x8704xf32>
    %broadcast_in_dim3A_94 = vector.shape_cast %squeeze3A_77 : vector<32x1xf32> to vector<32x1xf32>
    %broadcast_in_dim3A_95 = vector.broadcast %broadcast_in_dim3A_94 : vector<32x1xf32> to vector<32x8704xf32>
    %select_n3A_96 = arith.select %eq3A_22, %broadcast_in_dim3A_93, %broadcast_in_dim3A_95 : vector<32x8704xi1>, vector<32x8704xf32>
    %broadcast_in_dim3A_97 = vector.shape_cast %squeeze3A_83 : vector<32x1xf32> to vector<32x1xf32>
    %broadcast_in_dim3A_98 = vector.broadcast %broadcast_in_dim3A_97 : vector<32x1xf32> to vector<32x8704xf32>
    %broadcast_in_dim3A_99 = vector.shape_cast %squeeze3A_81 : vector<32x1xf32> to vector<32x1xf32>
    %broadcast_in_dim3A_100 = vector.broadcast %broadcast_in_dim3A_99 : vector<32x1xf32> to vector<32x8704xf32>
    %select_n3A_101 = arith.select %eq3A_22, %broadcast_in_dim3A_98, %broadcast_in_dim3A_100 : vector<32x8704xi1>, vector<32x8704xf32>
    %broadcast_in_dim3A_102 = vector.shape_cast %squeeze3A_87 : vector<32x1xf32> to vector<32x1xf32>
    %broadcast_in_dim3A_103 = vector.broadcast %broadcast_in_dim3A_102 : vector<32x1xf32> to vector<32x8704xf32>
    %broadcast_in_dim3A_104 = vector.shape_cast %squeeze3A_85 : vector<32x1xf32> to vector<32x1xf32>
    %broadcast_in_dim3A_105 = vector.broadcast %broadcast_in_dim3A_104 : vector<32x1xf32> to vector<32x8704xf32>
    %select_n3A_106 = arith.select %eq3A_22, %broadcast_in_dim3A_103, %broadcast_in_dim3A_105 : vector<32x8704xi1>, vector<32x8704xf32>
    %broadcast_in_dim3A_107 = vector.shape_cast %squeeze3A_91 : vector<32x1xf32> to vector<32x1xf32>
    %broadcast_in_dim3A_108 = vector.broadcast %broadcast_in_dim3A_107 : vector<32x1xf32> to vector<32x8704xf32>
    %broadcast_in_dim3A_109 = vector.shape_cast %squeeze3A_89 : vector<32x1xf32> to vector<32x1xf32>
    %broadcast_in_dim3A_110 = vector.broadcast %broadcast_in_dim3A_109 : vector<32x1xf32> to vector<32x8704xf32>
    %select_n3A_111 = arith.select %eq3A_22, %broadcast_in_dim3A_108, %broadcast_in_dim3A_110 : vector<32x8704xi1>, vector<32x8704xf32>
    %select_n3A_112 = arith.select %eq3A_28, %select_n3A_101, %select_n3A_96 : vector<32x8704xi1>, vector<32x8704xf32>
    %select_n3A_113 = arith.select %eq3A_28, %select_n3A_111, %select_n3A_106 : vector<32x8704xi1>, vector<32x8704xf32>
    %select_n3A_114 = arith.select %eq3A_34, %select_n3A_113, %select_n3A_112 : vector<32x8704xi1>, vector<32x8704xf32>
    %slice3A_115 = vector.extract_strided_slice %get3A_38 {offsets = [0, 0, 2], sizes = [32, 8, 1], strides = [1, 1, 1]} : vector<32x8x4xf32> to vector<32x8x1xf32>
    %slice3A_116 = vector.extract_strided_slice %slice3A_115 {offsets = [0, 0, 0], sizes = [32, 1, 1], strides = [1, 1, 1]} : vector<32x8x1xf32> to vector<32x1x1xf32>
    %squeeze3A_117 = vector.shape_cast %slice3A_116 : vector<32x1x1xf32> to vector<32x1xf32>
    %slice3A_118 = vector.extract_strided_slice %slice3A_115 {offsets = [0, 1, 0], sizes = [32, 1, 1], strides = [1, 1, 1]} : vector<32x8x1xf32> to vector<32x1x1xf32>
    %squeeze3A_119 = vector.shape_cast %slice3A_118 : vector<32x1x1xf32> to vector<32x1xf32>
    %slice3A_120 = vector.extract_strided_slice %slice3A_115 {offsets = [0, 2, 0], sizes = [32, 1, 1], strides = [1, 1, 1]} : vector<32x8x1xf32> to vector<32x1x1xf32>
    %squeeze3A_121 = vector.shape_cast %slice3A_120 : vector<32x1x1xf32> to vector<32x1xf32>
    %slice3A_122 = vector.extract_strided_slice %slice3A_115 {offsets = [0, 3, 0], sizes = [32, 1, 1], strides = [1, 1, 1]} : vector<32x8x1xf32> to vector<32x1x1xf32>
    %squeeze3A_123 = vector.shape_cast %slice3A_122 : vector<32x1x1xf32> to vector<32x1xf32>
    %slice3A_124 = vector.extract_strided_slice %slice3A_115 {offsets = [0, 4, 0], sizes = [32, 1, 1], strides = [1, 1, 1]} : vector<32x8x1xf32> to vector<32x1x1xf32>
    %squeeze3A_125 = vector.shape_cast %slice3A_124 : vector<32x1x1xf32> to vector<32x1xf32>
    %slice3A_126 = vector.extract_strided_slice %slice3A_115 {offsets = [0, 5, 0], sizes = [32, 1, 1], strides = [1, 1, 1]} : vector<32x8x1xf32> to vector<32x1x1xf32>
    %squeeze3A_127 = vector.shape_cast %slice3A_126 : vector<32x1x1xf32> to vector<32x1xf32>
    %slice3A_128 = vector.extract_strided_slice %slice3A_115 {offsets = [0, 6, 0], sizes = [32, 1, 1], strides = [1, 1, 1]} : vector<32x8x1xf32> to vector<32x1x1xf32>
    %squeeze3A_129 = vector.shape_cast %slice3A_128 : vector<32x1x1xf32> to vector<32x1xf32>
    %slice3A_130 = vector.extract_strided_slice %slice3A_115 {offsets = [0, 7, 0], sizes = [32, 1, 1], strides = [1, 1, 1]} : vector<32x8x1xf32> to vector<32x1x1xf32>
    %squeeze3A_131 = vector.shape_cast %slice3A_130 : vector<32x1x1xf32> to vector<32x1xf32>
    %broadcast_in_dim3A_132 = vector.shape_cast %squeeze3A_119 : vector<32x1xf32> to vector<32x1xf32>
    %broadcast_in_dim3A_133 = vector.broadcast %broadcast_in_dim3A_132 : vector<32x1xf32> to vector<32x8704xf32>
    %broadcast_in_dim3A_134 = vector.shape_cast %squeeze3A_117 : vector<32x1xf32> to vector<32x1xf32>
    %broadcast_in_dim3A_135 = vector.broadcast %broadcast_in_dim3A_134 : vector<32x1xf32> to vector<32x8704xf32>
    %select_n3A_136 = arith.select %eq3A_22, %broadcast_in_dim3A_133, %broadcast_in_dim3A_135 : vector<32x8704xi1>, vector<32x8704xf32>
    %broadcast_in_dim3A_137 = vector.shape_cast %squeeze3A_123 : vector<32x1xf32> to vector<32x1xf32>
    %broadcast_in_dim3A_138 = vector.broadcast %broadcast_in_dim3A_137 : vector<32x1xf32> to vector<32x8704xf32>
    %broadcast_in_dim3A_139 = vector.shape_cast %squeeze3A_121 : vector<32x1xf32> to vector<32x1xf32>
    %broadcast_in_dim3A_140 = vector.broadcast %broadcast_in_dim3A_139 : vector<32x1xf32> to vector<32x8704xf32>
    %select_n3A_141 = arith.select %eq3A_22, %broadcast_in_dim3A_138, %broadcast_in_dim3A_140 : vector<32x8704xi1>, vector<32x8704xf32>
    %broadcast_in_dim3A_142 = vector.shape_cast %squeeze3A_127 : vector<32x1xf32> to vector<32x1xf32>
    %broadcast_in_dim3A_143 = vector.broadcast %broadcast_in_dim3A_142 : vector<32x1xf32> to vector<32x8704xf32>
    %broadcast_in_dim3A_144 = vector.shape_cast %squeeze3A_125 : vector<32x1xf32> to vector<32x1xf32>
    %broadcast_in_dim3A_145 = vector.broadcast %broadcast_in_dim3A_144 : vector<32x1xf32> to vector<32x8704xf32>
    %select_n3A_146 = arith.select %eq3A_22, %broadcast_in_dim3A_143, %broadcast_in_dim3A_145 : vector<32x8704xi1>, vector<32x8704xf32>
    %broadcast_in_dim3A_147 = vector.shape_cast %squeeze3A_131 : vector<32x1xf32> to vector<32x1xf32>
    %broadcast_in_dim3A_148 = vector.broadcast %broadcast_in_dim3A_147 : vector<32x1xf32> to vector<32x8704xf32>
    %broadcast_in_dim3A_149 = vector.shape_cast %squeeze3A_129 : vector<32x1xf32> to vector<32x1xf32>
    %broadcast_in_dim3A_150 = vector.broadcast %broadcast_in_dim3A_149 : vector<32x1xf32> to vector<32x8704xf32>
    %select_n3A_151 = arith.select %eq3A_22, %broadcast_in_dim3A_148, %broadcast_in_dim3A_150 : vector<32x8704xi1>, vector<32x8704xf32>
    %select_n3A_152 = arith.select %eq3A_28, %select_n3A_141, %select_n3A_136 : vector<32x8704xi1>, vector<32x8704xf32>
    %select_n3A_153 = arith.select %eq3A_28, %select_n3A_151, %select_n3A_146 : vector<32x8704xi1>, vector<32x8704xf32>
    %select_n3A_154 = arith.select %eq3A_34, %select_n3A_153, %select_n3A_152 : vector<32x8704xi1>, vector<32x8704xf32>
    %slice3A_155 = vector.extract_strided_slice %get3A_38 {offsets = [0, 0, 3], sizes = [32, 8, 1], strides = [1, 1, 1]} : vector<32x8x4xf32> to vector<32x8x1xf32>
    %slice3A_156 = vector.extract_strided_slice %slice3A_155 {offsets = [0, 0, 0], sizes = [32, 1, 1], strides = [1, 1, 1]} : vector<32x8x1xf32> to vector<32x1x1xf32>
    %squeeze3A_157 = vector.shape_cast %slice3A_156 : vector<32x1x1xf32> to vector<32x1xf32>
    %slice3A_158 = vector.extract_strided_slice %slice3A_155 {offsets = [0, 1, 0], sizes = [32, 1, 1], strides = [1, 1, 1]} : vector<32x8x1xf32> to vector<32x1x1xf32>
    %squeeze3A_159 = vector.shape_cast %slice3A_158 : vector<32x1x1xf32> to vector<32x1xf32>
    %slice3A_160 = vector.extract_strided_slice %slice3A_155 {offsets = [0, 2, 0], sizes = [32, 1, 1], strides = [1, 1, 1]} : vector<32x8x1xf32> to vector<32x1x1xf32>
    %squeeze3A_161 = vector.shape_cast %slice3A_160 : vector<32x1x1xf32> to vector<32x1xf32>
    %slice3A_162 = vector.extract_strided_slice %slice3A_155 {offsets = [0, 3, 0], sizes = [32, 1, 1], strides = [1, 1, 1]} : vector<32x8x1xf32> to vector<32x1x1xf32>
    %squeeze3A_163 = vector.shape_cast %slice3A_162 : vector<32x1x1xf32> to vector<32x1xf32>
    %slice3A_164 = vector.extract_strided_slice %slice3A_155 {offsets = [0, 4, 0], sizes = [32, 1, 1], strides = [1, 1, 1]} : vector<32x8x1xf32> to vector<32x1x1xf32>
    %squeeze3A_165 = vector.shape_cast %slice3A_164 : vector<32x1x1xf32> to vector<32x1xf32>
    %slice3A_166 = vector.extract_strided_slice %slice3A_155 {offsets = [0, 5, 0], sizes = [32, 1, 1], strides = [1, 1, 1]} : vector<32x8x1xf32> to vector<32x1x1xf32>
    %squeeze3A_167 = vector.shape_cast %slice3A_166 : vector<32x1x1xf32> to vector<32x1xf32>
    %slice3A_168 = vector.extract_strided_slice %slice3A_155 {offsets = [0, 6, 0], sizes = [32, 1, 1], strides = [1, 1, 1]} : vector<32x8x1xf32> to vector<32x1x1xf32>
    %squeeze3A_169 = vector.shape_cast %slice3A_168 : vector<32x1x1xf32> to vector<32x1xf32>
    %slice3A_170 = vector.extract_strided_slice %slice3A_155 {offsets = [0, 7, 0], sizes = [32, 1, 1], strides = [1, 1, 1]} : vector<32x8x1xf32> to vector<32x1x1xf32>
    %squeeze3A_171 = vector.shape_cast %slice3A_170 : vector<32x1x1xf32> to vector<32x1xf32>
    %broadcast_in_dim3A_172 = vector.shape_cast %squeeze3A_159 : vector<32x1xf32> to vector<32x1xf32>
    %broadcast_in_dim3A_173 = vector.broadcast %broadcast_in_dim3A_172 : vector<32x1xf32> to vector<32x8704xf32>
    %broadcast_in_dim3A_174 = vector.shape_cast %squeeze3A_157 : vector<32x1xf32> to vector<32x1xf32>
    %broadcast_in_dim3A_175 = vector.broadcast %broadcast_in_dim3A_174 : vector<32x1xf32> to vector<32x8704xf32>
    %select_n3A_176 = arith.select %eq3A_22, %broadcast_in_dim3A_173, %broadcast_in_dim3A_175 : vector<32x8704xi1>, vector<32x8704xf32>
    %broadcast_in_dim3A_177 = vector.shape_cast %squeeze3A_163 : vector<32x1xf32> to vector<32x1xf32>
    %broadcast_in_dim3A_178 = vector.broadcast %broadcast_in_dim3A_177 : vector<32x1xf32> to vector<32x8704xf32>
    %broadcast_in_dim3A_179 = vector.shape_cast %squeeze3A_161 : vector<32x1xf32> to vector<32x1xf32>
    %broadcast_in_dim3A_180 = vector.broadcast %broadcast_in_dim3A_179 : vector<32x1xf32> to vector<32x8704xf32>
    %select_n3A_181 = arith.select %eq3A_22, %broadcast_in_dim3A_178, %broadcast_in_dim3A_180 : vector<32x8704xi1>, vector<32x8704xf32>
    %broadcast_in_dim3A_182 = vector.shape_cast %squeeze3A_167 : vector<32x1xf32> to vector<32x1xf32>
    %broadcast_in_dim3A_183 = vector.broadcast %broadcast_in_dim3A_182 : vector<32x1xf32> to vector<32x8704xf32>
    %broadcast_in_dim3A_184 = vector.shape_cast %squeeze3A_165 : vector<32x1xf32> to vector<32x1xf32>
    %broadcast_in_dim3A_185 = vector.broadcast %broadcast_in_dim3A_184 : vector<32x1xf32> to vector<32x8704xf32>
    %select_n3A_186 = arith.select %eq3A_22, %broadcast_in_dim3A_183, %broadcast_in_dim3A_185 : vector<32x8704xi1>, vector<32x8704xf32>
    %broadcast_in_dim3A_187 = vector.shape_cast %squeeze3A_171 : vector<32x1xf32> to vector<32x1xf32>
    %broadcast_in_dim3A_188 = vector.broadcast %broadcast_in_dim3A_187 : vector<32x1xf32> to vector<32x8704xf32>
    %broadcast_in_dim3A_189 = vector.shape_cast %squeeze3A_169 : vector<32x1xf32> to vector<32x1xf32>
    %broadcast_in_dim3A_190 = vector.broadcast %broadcast_in_dim3A_189 : vector<32x1xf32> to vector<32x8704xf32>
    %select_n3A_191 = arith.select %eq3A_22, %broadcast_in_dim3A_188, %broadcast_in_dim3A_190 : vector<32x8704xi1>, vector<32x8704xf32>
    %select_n3A_192 = arith.select %eq3A_28, %select_n3A_181, %select_n3A_176 : vector<32x8704xi1>, vector<32x8704xf32>
    %select_n3A_193 = arith.select %eq3A_28, %select_n3A_191, %select_n3A_186 : vector<32x8704xi1>, vector<32x8704xf32>
    %select_n3A_194 = arith.select %eq3A_34, %select_n3A_193, %select_n3A_192 : vector<32x8704xi1>, vector<32x8704xf32>
    %get3A_195 = arith.constant 0 : index
    %get3A_196 = arith.constant 0 : index
    %get3A_197 = arith.constant 0 : index
    %get3A_198 = vector.load %arg1[%get3A_195, %get3A_196, %get3A_197] : memref<4x32x8704xf32, #tpu.memory_space<vmem>>, vector<1x32x8704xf32>
    %get3A_199 = vector.shape_cast %get3A_198 : vector<1x32x8704xf32> to vector<32x8704xf32>
    %get3A_200 = arith.constant 1 : index
    %get3A_201 = arith.constant 0 : index
    %get3A_202 = arith.constant 0 : index
    %get3A_203 = vector.load %arg1[%get3A_200, %get3A_201, %get3A_202] : memref<4x32x8704xf32, #tpu.memory_space<vmem>>, vector<1x32x8704xf32>
    %get3A_204 = vector.shape_cast %get3A_203 : vector<1x32x8704xf32> to vector<32x8704xf32>
    %get3A_205 = arith.constant 2 : index
    %get3A_206 = arith.constant 0 : index
    %get3A_207 = arith.constant 0 : index
    %get3A_208 = vector.load %arg1[%get3A_205, %get3A_206, %get3A_207] : memref<4x32x8704xf32, #tpu.memory_space<vmem>>, vector<1x32x8704xf32>
    %get3A_209 = vector.shape_cast %get3A_208 : vector<1x32x8704xf32> to vector<32x8704xf32>
    %get3A_210 = arith.constant 3 : index
    %get3A_211 = arith.constant 0 : index
    %get3A_212 = arith.constant 0 : index
    %get3A_213 = vector.load %arg1[%get3A_210, %get3A_211, %get3A_212] : memref<4x32x8704xf32, #tpu.memory_space<vmem>>, vector<1x32x8704xf32>
    %get3A_214 = vector.shape_cast %get3A_213 : vector<1x32x8704xf32> to vector<32x8704xf32>
    %mul3A = vector.broadcast %get3A_7 : vector<1x8704xf32> to vector<32x8704xf32>
    %mul3A_215 = arith.mulf %get3A_199, %mul3A : vector<32x8704xf32>
    %mul3A_216 = arith.constant 1.000000e-01 : f32
    %mul3A_217 = vector.broadcast %mul3A_216 : f32 to vector<32x8704xf32>
    %mul3A_218 = arith.mulf %mul3A_215, %mul3A_217 : vector<32x8704xf32>
    %add3A = vector.broadcast %get3A_1 : vector<1x8704xf32> to vector<32x8704xf32>
    %add3A_219 = arith.addf %mul3A_218, %add3A : vector<32x8704xf32>
    %mul3A_220 = vector.broadcast %get3A_10 : vector<1x8704xf32> to vector<32x8704xf32>
    %mul3A_221 = arith.mulf %get3A_204, %mul3A_220 : vector<32x8704xf32>
    %mul3A_222 = arith.constant 1.000000e-01 : f32
    %mul3A_223 = vector.broadcast %mul3A_222 : f32 to vector<32x8704xf32>
    %mul3A_224 = arith.mulf %mul3A_221, %mul3A_223 : vector<32x8704xf32>
    %add3A_225 = vector.broadcast %get3A_4 : vector<1x8704xf32> to vector<32x8704xf32>
    %add3A_226 = arith.addf %mul3A_224, %add3A_225 : vector<32x8704xf32>
    %mul3A_227 = arith.constant 2.000000e-01 : f32
    %mul3A_228 = vector.broadcast %mul3A_227 : f32 to vector<32x8704xf32>
    %mul3A_229 = arith.mulf %get3A_209, %mul3A_228 : vector<32x8704xf32>
    %exp3A = math.exp %mul3A_229 : vector<32x8704xf32>
    %mul3A_230 = vector.broadcast %get3A_7 : vector<1x8704xf32> to vector<32x8704xf32>
    %mul3A_231 = arith.mulf %exp3A, %mul3A_230 : vector<32x8704xf32>
    %mul3A_232 = arith.constant 2.000000e-01 : f32
    %mul3A_233 = vector.broadcast %mul3A_232 : f32 to vector<32x8704xf32>
    %mul3A_234 = arith.mulf %get3A_214, %mul3A_233 : vector<32x8704xf32>
    %exp3A_235 = math.exp %mul3A_234 : vector<32x8704xf32>
    %mul3A_236 = vector.broadcast %get3A_10 : vector<1x8704xf32> to vector<32x8704xf32>
    %mul3A_237 = arith.mulf %exp3A_235, %mul3A_236 : vector<32x8704xf32>
    %mul3A_238 = arith.constant 5.000000e-01 : f32
    %mul3A_239 = vector.broadcast %mul3A_238 : f32 to vector<32x8704xf32>
    %mul3A_240 = arith.mulf %mul3A_231, %mul3A_239 : vector<32x8704xf32>
    %sub3A = arith.subf %add3A_219, %mul3A_240 : vector<32x8704xf32>
    %mul3A_241 = arith.constant 5.000000e-01 : f32
    %mul3A_242 = vector.broadcast %mul3A_241 : f32 to vector<32x8704xf32>
    %mul3A_243 = arith.mulf %mul3A_237, %mul3A_242 : vector<32x8704xf32>
    %sub3A_244 = arith.subf %add3A_226, %mul3A_243 : vector<32x8704xf32>
    %mul3A_245 = arith.constant 5.000000e-01 : f32
    %mul3A_246 = vector.broadcast %mul3A_245 : f32 to vector<32x8704xf32>
    %mul3A_247 = arith.mulf %mul3A_231, %mul3A_246 : vector<32x8704xf32>
    %add3A_248 = arith.addf %add3A_219, %mul3A_247 : vector<32x8704xf32>
    %mul3A_249 = arith.constant 5.000000e-01 : f32
    %mul3A_250 = vector.broadcast %mul3A_249 : f32 to vector<32x8704xf32>
    %mul3A_251 = arith.mulf %mul3A_237, %mul3A_250 : vector<32x8704xf32>
    %add3A_252 = arith.addf %add3A_226, %mul3A_251 : vector<32x8704xf32>
    %max3A = arith.maximumf %sub3A, %select_n3A_74 : vector<32x8704xf32>
    %max3A_253 = arith.maximumf %sub3A_244, %select_n3A_114 : vector<32x8704xf32>
    %min3A = arith.minimumf %add3A_248, %select_n3A_154 : vector<32x8704xf32>
    %min3A_254 = arith.minimumf %add3A_252, %select_n3A_194 : vector<32x8704xf32>
    %sub3A_255 = arith.subf %min3A, %max3A : vector<32x8704xf32>
    %max3A_256 = arith.constant 0.000000e+00 : f32
    %max3A_257 = vector.broadcast %max3A_256 : f32 to vector<32x8704xf32>
    %max3A_258 = arith.maximumf %sub3A_255, %max3A_257 : vector<32x8704xf32>
    %sub3A_259 = arith.subf %min3A_254, %max3A_253 : vector<32x8704xf32>
    %max3A_260 = arith.constant 0.000000e+00 : f32
    %max3A_261 = vector.broadcast %max3A_260 : f32 to vector<32x8704xf32>
    %max3A_262 = arith.maximumf %sub3A_259, %max3A_261 : vector<32x8704xf32>
    %mul3A_263 = arith.mulf %max3A_258, %max3A_262 : vector<32x8704xf32>
    %sub3A_264 = arith.subf %add3A_248, %sub3A : vector<32x8704xf32>
    %max3A_265 = arith.constant 0.000000e+00 : f32
    %max3A_266 = vector.broadcast %max3A_265 : f32 to vector<32x8704xf32>
    %max3A_267 = arith.maximumf %sub3A_264, %max3A_266 : vector<32x8704xf32>
    %sub3A_268 = arith.subf %add3A_252, %sub3A_244 : vector<32x8704xf32>
    %max3A_269 = arith.constant 0.000000e+00 : f32
    %max3A_270 = vector.broadcast %max3A_269 : f32 to vector<32x8704xf32>
    %max3A_271 = arith.maximumf %sub3A_268, %max3A_270 : vector<32x8704xf32>
    %mul3A_272 = arith.mulf %max3A_267, %max3A_271 : vector<32x8704xf32>
    %sub3A_273 = arith.subf %select_n3A_154, %select_n3A_74 : vector<32x8704xf32>
    %sub3A_274 = arith.subf %select_n3A_194, %select_n3A_114 : vector<32x8704xf32>
    %mul3A_275 = arith.mulf %sub3A_273, %sub3A_274 : vector<32x8704xf32>
    %add3A_276 = arith.addf %mul3A_272, %mul3A_275 : vector<32x8704xf32>
    %sub3A_277 = arith.subf %add3A_276, %mul3A_263 : vector<32x8704xf32>
    %add3A_278 = arith.constant 1.000000e-07 : f32
    %add3A_279 = vector.broadcast %add3A_278 : f32 to vector<32x8704xf32>
    %add3A_280 = arith.addf %sub3A_277, %add3A_279 : vector<32x8704xf32>
    %div3A = arith.divf %mul3A_263, %add3A_280 : vector<32x8704xf32>
    %add3A_281 = arith.addf %sub3A, %add3A_248 : vector<32x8704xf32>
    %add3A_282 = arith.addf %select_n3A_74, %select_n3A_154 : vector<32x8704xf32>
    %sub3A_283 = arith.subf %add3A_281, %add3A_282 : vector<32x8704xf32>
    %add3A_284 = arith.addf %sub3A_244, %add3A_252 : vector<32x8704xf32>
    %add3A_285 = arith.addf %select_n3A_114, %select_n3A_194 : vector<32x8704xf32>
    %sub3A_286 = arith.subf %add3A_284, %add3A_285 : vector<32x8704xf32>
    %mul3A_287 = arith.mulf %sub3A_283, %sub3A_283 : vector<32x8704xf32>
    %mul3A_288 = arith.mulf %sub3A_286, %sub3A_286 : vector<32x8704xf32>
    %add3A_289 = arith.addf %mul3A_287, %mul3A_288 : vector<32x8704xf32>
    %mul3A_290 = arith.constant 2.500000e-01 : f32
    %mul3A_291 = vector.broadcast %mul3A_290 : f32 to vector<32x8704xf32>
    %mul3A_292 = arith.mulf %add3A_289, %mul3A_291 : vector<32x8704xf32>
    %min3A_293 = arith.minimumf %sub3A, %select_n3A_74 : vector<32x8704xf32>
    %min3A_294 = arith.minimumf %sub3A_244, %select_n3A_114 : vector<32x8704xf32>
    %max3A_295 = arith.maximumf %add3A_248, %select_n3A_154 : vector<32x8704xf32>
    %max3A_296 = arith.maximumf %add3A_252, %select_n3A_194 : vector<32x8704xf32>
    %sub3A_297 = arith.subf %max3A_295, %min3A_293 : vector<32x8704xf32>
    %integer_pow3A = arith.mulf %sub3A_297, %sub3A_297 : vector<32x8704xf32>
    %sub3A_298 = arith.subf %max3A_296, %min3A_294 : vector<32x8704xf32>
    %integer_pow3A_299 = arith.mulf %sub3A_298, %sub3A_298 : vector<32x8704xf32>
    %add3A_300 = arith.addf %integer_pow3A, %integer_pow3A_299 : vector<32x8704xf32>
    %add3A_301 = arith.constant 1.000000e-07 : f32
    %add3A_302 = vector.broadcast %add3A_301 : f32 to vector<32x8704xf32>
    %add3A_303 = arith.addf %add3A_300, %add3A_302 : vector<32x8704xf32>
    %sub3A_304 = arith.constant 1.000000e+00 : f32
    %sub3A_305 = vector.broadcast %sub3A_304 : f32 to vector<32x8704xf32>
    %sub3A_306 = arith.subf %sub3A_305, %div3A : vector<32x8704xf32>
    %div3A_307 = arith.divf %mul3A_292, %add3A_303 : vector<32x8704xf32>
    %add3A_308 = arith.addf %sub3A_306, %div3A_307 : vector<32x8704xf32>
    %jit3A = arith.constant 0.000000e+00 : f32
    %broadcast_in_dim3A_309 = vector.broadcast %jit3A : f32 to vector<32x8704xf32>
    %select_n3A_310 = arith.select %gt3A_15, %add3A_308, %broadcast_in_dim3A_309 : vector<32x8704xi1>, vector<32x8704xf32>
    %reduce_sum3A = vector.shape_cast %select_n3A_310 : vector<32x8704xf32> to vector<1x32x8704xf32>
    %reduce_sum3A_311 = arith.constant dense<0.000000e+00> : vector<1xf32>
    %reduce_sum3A_312 = vector.multi_reduction <add>, %reduce_sum3A, %reduce_sum3A_311 [1, 2] : vector<1x32x8704xf32> to vector<1xf32>
    %reduce_sum3A_313 = vector.shape_cast %reduce_sum3A_312 : vector<1xf32> to vector<1x1x1xf32>
    %reduce_sum3A_314 = vector.extract %reduce_sum3A_313[0, 0, 0] : f32 from vector<1x1x1xf32>
    %iota3A = tpu.iota {dimensions = array<i32: 1>} : vector<1x128xi32>
    %eq3A_315 = arith.constant 0 : i32
    %eq3A_316 = vector.broadcast %eq3A_315 : i32 to vector<1x128xi32>
    %eq3A_317 = arith.cmpi eq, %iota3A, %eq3A_316 : vector<1x128xi32>
    %jit3A_318 = arith.constant 0.000000e+00 : f32
    %broadcast_in_dim3A_319 = vector.broadcast %reduce_sum3A_314 : f32 to vector<1x128xf32>
    %broadcast_in_dim3A_320 = vector.broadcast %jit3A_318 : f32 to vector<1x128xf32>
    %select_n3A_321 = arith.select %eq3A_317, %broadcast_in_dim3A_319, %broadcast_in_dim3A_320 : vector<1x128xi1>, vector<1x128xf32>
    %swap3A = arith.constant 0 : index
    %swap3A_322 = arith.constant 0 : index
    %swap3A_323 = vector.load %arg6[%swap3A, %swap3A_322] : memref<1x128xf32, #tpu.memory_space<vmem>>, vector<1x128xf32>
    tpu.vector_store %arg6[%swap3A, %swap3A_322], %select_n3A_321 {strides = array<i32>} : memref<1x128xf32, #tpu.memory_space<vmem>>, vector<1x128xf32>,
    return
  }
  func.func @transform_0(%arg0: i32) -> (i32, i32, i32) {
    %c0_i32 = arith.constant 0 : i32
    %c0_i32_0 = arith.constant 0 : i32
    %c0_i32_1 = arith.constant 0 : i32
    %c0_i32_2 = arith.constant 0 : i32
    return %c0_i32, %c0_i32_0, %c0_i32_1 : i32, i32, i32
  }
  func.func @transform_1(%arg0: i32) -> (i32, i32) {
    %c0_i32 = arith.constant 0 : i32
    %c0_i32_0 = arith.constant 0 : i32
    %c0_i32_1 = arith.constant 0 : i32
    return %c0_i32, %c0_i32_0 : i32, i32
  }
  func.func @transform_2(%arg0: i32) -> (i32, i32, i32) {
    %c0_i32 = arith.constant 0 : i32
    %c0_i32_0 = arith.constant 0 : i32
    %c0_i32_1 = arith.constant 0 : i32
    %c0_i32_2 = arith.constant 0 : i32
    return %c0_i32, %c0_i32_0, %c0_i32_1 : i32, i32, i32
  }
  func.func @transform_3(%arg0: i32) -> (i32, i32) {
    %c0_i32 = arith.constant 0 : i32
    %c0_i32_0 = arith.constant 0 : i32
    %c0_i32_1 = arith.constant 0 : i32
    return %c0_i32, %c0_i32_0 : i32, i32
  }
  func.func @transform_4(%arg0: i32) -> (i32, i32) {
    %c0_i32 = arith.constant 0 : i32
    %c0_i32_0 = arith.constant 0 : i32
    %c0_i32_1 = arith.constant 0 : i32
    return %c0_i32, %c0_i32_0 : i32, i32
  }
  func.func @transform_5(%arg0: i32) -> (i32, i32) {
    %c0_i32 = arith.constant 0 : i32
    %c0_i32_0 = arith.constant 0 : i32
    %c0_i32_1 = arith.constant 0 : i32
    return %c0_i32, %c0_i32_0 : i32, i32
  }
}

</mosaic_0001>

<sc_bundles>
// kernel: kernel.5.cloned.1.call-start
scs
__scs_entry_jumppad:
0x0: {  	(pc) =	sbr.rel $0x88, $3  }
0x1: {  	(tag) =	ssettag $0x0;
	lr =	simm.s32 $0x1  }
0x2: {  	[smem:$0x3F9C] =	sst lr;
	_ =	strace $0xD0000000  }
0x3: {  	_ = 	snop  }
0x4: {  	_ = 	snop  }
0x5: {  	_ = 	snop  }
0x6: {  	_ = 	snop  }
0x7: {  	_ = 	snop  }
__scs_overlays_trampoline_lowered:
0x8: {  	[smem:$0x3FAB] =	sst s0  }
0x9: {  	[smem:$0x3FAC] =	sst s1  }
0xa: {  	[smem:$0x3FAD] =	sst s2  }
0xb: {  	[smem:$0x3FAE] =	sst s3  }
0xc: {  	[smem:$0x3FAF] =	sst s4  }
0xd: {  	[smem:$0x3FB0] =	sst s5  }
0xe: {  	[smem:$0x3FB1] =	sst s6  }
0xf: {  	[smem:$0x3FB2] =	sst s7  }
0x10: {  	[smem:$0x3FB3] =	sst s8  }
0x11: {  	[smem:$0x3FB4] =	sst s9;
	s0 =	simm.s32 @!p0 $0x0  }
0x12: {  	s1 =	sld [smem:$0x3F9A];
	s0 =	simm.s32 @p0 $0x1  }
0x13: {  	[smem:$0x3FB5] =	sst s0;
	s0 =	simm.s32 @!p1 $0x0  }
0x14: {  	s2 =	sld [smem:$0x3F99];
	s0 =	simm.s32 @p1 $0x1  }
0x15: {  	[smem:$0x3FB6] =	sst s0;
	s0 =	simm.s32 @!p2 $0x0  }
0x16: {  	s3 =	sld [smem:$0x3FDB];
	s0 =	simm.s32 @p2 $0x1  }
0x17: {  	s4 =	simm.s32 $0x1BF5;
	[smem:$0x3FB8] =	sst s0  }
0x18: {  	s0 =	sld [smem:$0x3F9B];
	_ =	swait.ge [sflag:s4], $0x0  }
0x19: {  	s7 =	sld [smem:$0x3F9C]  }
0x1a: {  	s8 =	sadd.s32 $0xFFFFE003, lr  }
0x1b: {  	s9 =	sadd.s32 $0xFFFFFEF7, lr;
	s5 =	simm.s32 $0xFFFFFFFF;
	p2 =	slt.u32 s8, $0xFFFFF086  }
0x1c: {  	p1 =	slt.u32 s9, $0xF7A;
	s5 =	simm.s32 @!p2 $0x0  }
0x1d: {  	s5 =	simm.s32 @p1 $0x1;
	p0 =	seq.s32 s7, s2  }
0x1e: {  	s7 =	smul.u32 @!p0 $0xF7A, s2;
	p2 =	seq.s32 @!p0 s5, $0x0  }
0x1f: {  	s9 =	smul.u32 $0xF7A, s1;
	s8 =	simm.s32 @!p0 $0x1BF5;
	p2 =	por !p2, p0  }
0x20: {  	[sflag:s8] =	ssyncset.s32 @!p0 $0xFFFFF086;
	s6 =	sadd.s32 @!p0 s3, s7;
	s7 =	simm.s32 @!p0 $0x108  }
0x21: {  	s3 =	sadd.s32 s3, s9;
	s6 =	sadd.s32 @!p0 $0x88, s6;
	s7 =	simm.s32 @p2 $0x1082  }
0x22: {  	[simem:s7], [sflag:s8] =	dma.local @!p0 [hbm:s6], $0xF7A  }
0x23: {  	s9 =	sor.u32 $0xD0000000, s2;
	s6 =	simm.s32 $0x108;
	_ =	swait.ge @!p0 [sflag:s8], $0x0  }
0x24: {  	s3 =	sadd.s32 $0x88, s3;
	s6 =	simm.s32 @!p1 $0x1082;
	[sflag:s4] =	ssyncset.s32 $0xFFFFF086  }
0x25: {  	[simem:s6], [sflag:s4] =	dma.local [hbm:s3], $0xF7A  }
0x26: {  	[smem:$0x3F9C] =	sst s1;
	(tag) =	ssettag s2;
	_ =	strace s9  }
0x27: {  	s1 =	sld [smem:$0x3FAC]  }
0x28: {  	s2 =	sld [smem:$0x3FAD]  }
0x29: {  	s4 =	sld [smem:$0x3FAF]  }
0x2a: {  	p0 =	seq.s32 s5, $0x0;
	s5 =	sld [smem:$0x3FB0]  }
0x2b: {  	s6 =	sld [smem:$0x3FB1]  }
0x2c: {  	s7 =	sld [smem:$0x3FB2]  }
0x2d: {  	s3 =	simm.s32 $0x108;
	s8 =	sld [smem:$0x3FB3]  }
0x2e: {  	s3 =	simm.s32 @!p0 $0x1082;
	s9 =	sld [smem:$0x3FB4]  }
0x2f: {  	lr =	sadd.s32 s0, s3;
	s0 =	sld [smem:$0x3FAB]  }
0x30: {  	s3 =	sld [smem:$0x3FAE]  }
0x31: {  	[smem:$0x3FB7] =	sst s10  }
0x32: {  	s10 =	sld [smem:$0x3FB5];
	_ =	sdelay $0x3  }
0x33: {  	p0 =	seq.s32 s10, $0x1;
	s10 =	sld [smem:$0x3FB7];
	_ =	sdelay $0x3  }
0x34: {  	[smem:$0x3FB7] =	sst s10  }
0x35: {  	s10 =	sld [smem:$0x3FB6];
	_ =	sdelay $0x3  }
0x36: {  	p1 =	seq.s32 s10, $0x1;
	s10 =	sld [smem:$0x3FB7];
	_ =	sdelay $0x3  }
0x37: {  	[smem:$0x3FB7] =	sst s10  }
0x38: {  	s10 =	sld [smem:$0x3FB8]  }
0x39: {  	_ = 	snop;
	(pc) =	sbr.ind lr, $3  }
0x3a: {  	_ = 	snop  }
0x3b: {  	_ = 	snop  }
0x3c: {  	p2 =	seq.s32 s10, $0x1;
	s10 =	sld [smem:$0x3FB7]  }
0x3d: {  	_ =	shalt  }
0x3e: {  	_ =	shalt  }
0x3f: {  	_ =	shalt  }
0x40: {  	_ =	shalt  }
0x41: {  	_ =	shalt  }
0x42: {  	_ =	shalt  }
0x43: {  	_ =	shalt  }
0x44: {  	_ =	shalt  }
0x45: {  	_ =	shalt  }
0x46: {  	_ =	shalt  }
0x47: {  	_ =	shalt  }
0x48: {  	_ =	shalt  }
0x49: {  	_ =	shalt  }
0x4a: {  	_ =	shalt  }
0x4b: {  	_ =	shalt  }
0x4c: {  	_ =	shalt  }
0x4d: {  	_ =	shalt  }
0x4e: {  	_ =	shalt  }
0x4f: {  	_ =	shalt  }
0x50: {  	_ =	shalt  }
0x51: {  	_ =	shalt  }
0x52: {  	_ =	shalt  }
0x53: {  	_ =	shalt  }
0x54: {  	_ =	shalt  }
0x55: {  	_ =	shalt  }
0x56: {  	_ =	shalt  }
0x57: {  	_ =	shalt  }
0x58: {  	_ =	shalt  }
0x59: {  	_ =	shalt  }
0x5a: {  	_ =	shalt  }
0x5b: {  	_ =	shalt  }
0x5c: {  	_ =	shalt  }
0x5d: {  	_ =	shalt  }
0x5e: {  	_ =	shalt  }
0x5f: {  	_ =	shalt  }
0x60: {  	_ =	shalt  }
0x61: {  	_ =	shalt  }
0x62: {  	_ =	shalt  }
0x63: {  	_ =	shalt  }
0x64: {  	_ =	shalt  }
0x65: {  	_ =	shalt  }
0x66: {  	_ =	shalt  }
0x67: {  	_ =	shalt  }
0x68: {  	_ =	shalt  }
0x69: {  	_ =	shalt  }
0x6a: {  	_ =	shalt  }
0x6b: {  	_ =	shalt  }
0x6c: {  	_ =	shalt  }
0x6d: {  	_ =	shalt  }
0x6e: {  	_ =	shalt  }
0x6f: {  	_ =	shalt  }
0x70: {  	_ =	shalt  }
0x71: {  	_ =	shalt  }
0x72: {  	_ =	shalt  }
0x73: {  	_ =	shalt  }
0x74: {  	_ =	shalt  }
0x75: {  	_ =	shalt  }
0x76: {  	_ =	shalt  }
0x77: {  	_ =	shalt  }
0x78: {  	_ =	shalt  }
0x79: {  	_ =	shalt  }
0x7a: {  	_ =	shalt  }
0x7b: {  	_ =	shalt  }
0x7c: {  	_ =	shalt  }
0x7d: {  	_ =	shalt  }
0x7e: {  	_ =	shalt  }
0x7f: {  	_ =	shalt  }
0x80: {  	_ =	shalt  }
0x81: {  	_ =	shalt  }
0x82: {  	_ =	shalt  }
0x83: {  	_ =	shalt  }
0x84: {  	_ =	shalt  }
0x85: {  	_ =	shalt  }
0x86: {  	_ =	shalt  }
0x87: {  	_ =	shalt  }
.Lfunc_end0:
.L_simem_size_0:
called_computation_lowered:
.L_overlay_start_0:
0x88: {  	s2 =	sld [smem:$0x3FD9]  }
0x89: {  	s3 =	sld [smem:$0x3FFE];
	_ =	sdelay $0x1  }
0x8a: {  	s1 =	srdreg.scid  }
0x8b: {  	s0 =	sand.u32 $0x1, s1  }
0x8c: {  	s16 =	sshll.u32 s0, $0xA;
	s2 =	sadd.s32 s3, s2  }
0x8d: {  	s2 =	sadd.s32 s2, s16  }
0x8e: {  	[smem:$0x3FC3] =	sst s2  }
0x8f: {  	_ = 	snop  }
0x90: {  	(tm) =	ssettm $0x1  }
0x91: {  	s17 =	sld [smem:$0x3FFB];
	_ =	sdelay $0x3  }
0x92: {  	_ =	strace s17  }
0x93: {  	s2 =	sld [smem:$0x3FFC];
	_ =	sdelay $0x3  }
0x94: {  	_ =	strace s2  }
0x95: {  	s2 =	sld [smem:$0x3FFD];
	_ =	sdelay $0x3  }
0x96: {  	_ =	strace s2  }
0x97: {  	_ =	strace $0x8FFFFFFF  }
0x98: {  	s18 =	sld [smem:$0x3FDB];
	_ =	sdelay $0x1  }
0x99: {  	s19 =	simm.s32 $_scs_section_size  }
0x9a: {  	s4 =	simm.s32 $_size__tile_overlayer_lowered;
	s5 =	simm.s32 $_tile_overlayer_lowered  }
0x9b: {  	s22 =	simm.s32 $0x1BFF;
	s21 =	sshll.u32 s5, $0x1;
	s2 =	sadd.s32 s19, s18  }
0x9c: {  	s6 =	simm.s32 $0x0;
	s20 =	sshll.u32 s4, $0x1;
	s4 =	sadd.s32 s21, s2  }
0x9d: {  	[timem:s6], [sflag:s22] =	dma.local [hbm:s4], s20  }
0x9e: {  	_ =	swait.ge [sflag:s22], s20  }
0x9f: {  	s3 =	ssub.s32 $0x0, s20;
	[sflag:s22] =	ssyncset.done $0x0  }
0xa0: {  	[sflag:s22] =	ssyncadd.s32 s3;
	_ =	sdelay $0x1  }
0xa1: {  	s23 =	simm.s32 $0x1B8B  }
0xa2: {  	_ =	swait.ge [sflag:s23], $0x1  }
0xa3: {  	[sflag:s23] =	ssyncset.done $0x0  }
0xa4: {  	s25 =	simm.s32 $0x1B8E;
	s24 =	sld [smem:$0x3FFE];
	[sflag:s23] =	ssyncadd.s32 $0xFFFFFFFF  }
0xa5: {  	s26 =	simm.s32 $execute0_lowered;
	[smem:$0x3FD2] =	sst s25  }
0xa6: {  	s4 =	sshll.u32 s26, $0x1;
	_ =	strace $0x80000046;
	[dreg:$0x1] =	wrdreg $0xFFFFFFFF  }
0xa7: {  	s28 =	simm.s32 $_size_execute0_lowered;
	s2 =	sadd.s32 s2, s4;
	[dreg:$0x0] =	wrdreg $0x0  }
0xa8: {  	s4 =	sshll.u32 s28, $0x1;
	[dreg:$0x2] =	wrdreg s2  }
0xa9: {  	[dreg:$0x3] =	wrdreg s4  }
0xaa: {  	[dreg:$0x4] =	wrdreg $0xC0  }
0xab: {  	_ =	task [dreg:s6], $0x5FFFF  }
0xac: {  	[dreg:$0x1] =	wrdreg $0xFFFFFFFF  }
0xad: {  	[dreg:$0x0] =	wrdreg $0x60  }
0xae: {  	[dreg:$0x2] =	wrdreg s24  }
0xaf: {  	[dreg:$0x3] =	wrdreg $0x9  }
0xb0: {  	_ =	task.clear_ibuf [dreg:s6], $0x4FFFF;
	_ =	strace $0x90000046  }
0xb1: {  	s29 =	simm.s32 $0x9;
	_ =	strace $0x80000048  }
0xb2: {  	_ =	swait.ge [sflag:s29], $0x1  }
0xb3: {  	[sflag:s29] =	ssyncadd.s32 $0xFFFFFFFF  }
0xb4: {  	_ =	strace $0x90000048  }
0xb5: {  	_ =	sfence  }
0xb6: {  	s30 =	sld [smem:$0x0];
	_ =	sdelay $0x2  }
0xb7: {  	s31 =	sshll.u32 s1, $0xD;
	s1 =	sshrl.u32 s1, $0x2  }
0xb8: {  	s3 =	sand.u32 $0x4000, s31;
	s1 =	sadd.s32 s1, s30  }
0xb9: {  	s0 =	sor.u32 s3, s0;
	s1 =	sshll.u32 s1, $0x11  }
0xba: {  	s0 =	sor.u32 s1, s0  }
0xbb: {  	s0 =	sadd.s32 $0x8F2B, s0  }
0xbc: {  	[sflag:s0] =	ssyncadd.remote.s32 $0x1  }
0xbd: {  	_ =	sfence.sel $0xFFFF  }
0xbe: {  	[dreg:$0x0] =	wrdreg $0xFFFFFFFF;
	(pc) =	sbr.abs _section_cstart, $3  }
0xbf: {  	[dreg:$0x1] =	wrdreg $0xFFFFFFFF  }
0xc0: {  	_ =	task.clear_ibuf [dreg:s6], $0x2FFFF;
	_ =	strace $0x9FFFFFFF  }
0xc1: {  	(tm) =	ssettm $0x7FFFFFFF  }
tec
execute0_lowered:
.L_overlay_start_1:
0x0: {  	(tag) =	ssettag $0x1  }
0x1: {  	s3 =	rddreg [dreg:$0x0]  }
0x2: {  	s0 =	rddreg [dreg:$0x1];
	s2 =	simm.s32 $0x0;
	s4 =	srdreg.scid  }
0x3: {  	s1 =	stileid.u32;
	s9 =	simm.s32 $0x1;
	s10 =	simm.s32 $0x4400  }
0x4: {  	s11 =	simm.s32 $0x4480;
	s12 =	simm.s32 $0x0;
	s4 =	sand.u32 $0x1, s4  }
0x5: {  	s5 =	sshrl.u32 s1, $0x2;
	s6 =	sshll.u32 s1, $0x8;
	[smem:$0x7FF] =	sst s2  }
0x6: {  	s7 =	smul.u32 $0x11000, s5;
	s8 =	sshll.u32 s4, $0x7;
	s6 =	sand.u32 $0x300, s6  }
0x7: {  	_ =	strace $0x80000047;
	s5 =	sshll.u32 s5, $0xA;
	s6 =	sor.u32 s8, s6  }
0x8: {  	s4 =	ssub.s32 $0x2, s4;
	s7 =	sor.u32 s7, s6;
	s5 =	sor.u32 s5, s6  }
0x9: {  	s31 =	sshrl.u32 s4, $0x1;
	s7 =	sshrl.u32 s7, $0x3;
	s5 =	sshrl.u32 s5, $0x3  }
0xa: {  	s8 =	simm.s32 $0x400;
	s30 =	sadd.s32 s7, s3;
	s5 =	sadd.s32 s5, s3  }
0xb: {  	s7 =	ssub.s32 s4, s31;
	s3 =	sadd.s32 $0x1200, s30;
	s4 =	sadd.s32 $0x9A00, s5  }
0xc: {  	s5 =	sadd.s32 $0x9C00, s5;
	s6 =	smax.u32 s7, $0x1;
	s7 =	simm.s32 $0x80  }
.LBB2_1:
0xd: {  	[tilespmem:s2], [sflag:$0x1] =	stream.strided.gather [hbm4b:s3+s7], $0x2200, s8, s7, $0x38;
	[tilespmem:$0x4500] =	vst v63  }
0xe: {  	_ =	swait.ge [sflag:s9], $0x2200  }
0xf: {  	[sflag:s9] =	ssyncset.done $0x0  }
0x10: {  	[sflag:s9] =	ssyncadd.s32 $0xFFFFDE00  }
0x11: {  	[tilespmem:s10], [sflag:$0x1] =	stream.linear.gather [hbm4b:s4+s2], $0x80, $0x38;
	[tilespmem:$0x4500] =	vst v63  }
0x12: {  	_ =	swait.ge [sflag:s9], $0x80  }
0x13: {  	[sflag:s9] =	ssyncset.done $0x0  }
0x14: {  	[sflag:s9] =	ssyncadd.s32 $0xFFFFFF80  }
0x15: {  	s13 =	simm.s32 $0x0;
	v0 =	vld [tilespmem:$0x4400]  }
0x16: {  	v1 =	vld [tilespmem:s13+$0xF0]  }
0x17: {  	v2 =	vld [tilespmem:s13+$0x0]  }
0x18: {  	v3 =	vld [tilespmem:s13+$0x10]  }
0x19: {  	v4 =	vld [tilespmem:s13+$0x20]  }
0x1a: {  	v5 =	vld [tilespmem:s13+$0x30]  }
0x1b: {  	v6 =	vld [tilespmem:s13+$0x40];
	[tilespmem:s13+$0x22F0] =	vst v1  }
0x1c: {  	[tilespmem:s13+$0x2200] =	vst v2;
	v1 =	vld [tilespmem:s13+$0x50]  }
0x1d: {  	[tilespmem:s13+$0x2210] =	vst v3;
	v2 =	vld [tilespmem:s13+$0x60]  }
0x1e: {  	[tilespmem:s13+$0x2220] =	vst v4;
	v3 =	vld [tilespmem:s13+$0x70]  }
0x1f: {  	[tilespmem:s13+$0x2230] =	vst v5;
	v4 =	vld [tilespmem:s13+$0x80]  }
0x20: {  	[tilespmem:s13+$0x2240] =	vst v6;
	v5 =	vld [tilespmem:s13+$0x90]  }
0x21: {  	[tilespmem:s13+$0x2250] =	vst v1;
	v1 =	vld [tilespmem:s13+$0xA0]  }
0x22: {  	[tilespmem:s13+$0x2260] =	vst v2;
	v2 =	vld [tilespmem:s13+$0xB0]  }
0x23: {  	[tilespmem:s13+$0x2270] =	vst v3;
	v3 =	vld [tilespmem:s13+$0xC0]  }
0x24: {  	[tilespmem:s13+$0x2280] =	vst v4;
	v4 =	vld [tilespmem:s13+$0xD0]  }
0x25: {  	s14 =	simm.s32 $0x100;
	s15 =	simm.s32 $0x800;
	[tilespmem:s13+$0x2290] =	vst v5;
	v5 =	vld [tilespmem:s13+$0xE0]  }
.LBB2_2:
0x26: {  	p0 =	sne.s32 s15, $0x8400;
	v6 =	vld [tilespmem:s14+$0xF0];
	[tilespmem:s13+$0x22A0] =	vst v1  }
0x27: {  	v1 =	vld [tilespmem:s14+$0x0];
	[tilespmem:s13+$0x22B0] =	vst v2  }
0x28: {  	v2 =	vld [tilespmem:s14+$0x10];
	[tilespmem:s13+$0x22C0] =	vst v3  }
0x29: {  	v3 =	vld [tilespmem:s14+$0x20];
	[tilespmem:s13+$0x22D0] =	vst v4  }
0x2a: {  	v4 =	vld [tilespmem:s14+$0x30];
	[tilespmem:s13+$0x22E0] =	vst v5;
	s13 =	smov.u32 s14  }
0x2b: {  	v5 =	vld [tilespmem:s13+$0x40];
	[tilespmem:s13+$0x22F0] =	vst v6  }
0x2c: {  	[tilespmem:s13+$0x2200] =	vst v1;
	v1 =	vld [tilespmem:s13+$0x50]  }
0x2d: {  	[tilespmem:s13+$0x2210] =	vst v2;
	v2 =	vld [tilespmem:s13+$0x60]  }
0x2e: {  	[tilespmem:s13+$0x2220] =	vst v3;
	v3 =	vld [tilespmem:s13+$0x70]  }
0x2f: {  	[tilespmem:s13+$0x2230] =	vst v4;
	v4 =	vld [tilespmem:s13+$0x80]  }
0x30: {  	[tilespmem:s13+$0x2240] =	vst v5;
	v5 =	vld [tilespmem:s13+$0x90]  }
.Ltmp0:
0x31: {  	[tilespmem:s13+$0x2250] =	vst v1;
	v1 =	vld [tilespmem:s13+$0xA0];
	(pc) =	sbr.rel @p0 .LBB2_2-.Ltmp0, $4  }
0x32: {  	[tilespmem:s13+$0x2260] =	vst v2;
	v2 =	vld [tilespmem:s13+$0xB0]  }
0x33: {  	[tilespmem:s13+$0x2270] =	vst v3;
	v3 =	vld [tilespmem:s13+$0xC0]  }
0x34: {  	[tilespmem:s13+$0x2280] =	vst v4;
	v4 =	vld [tilespmem:s13+$0xD0]  }
0x35: {  	s14 =	sshra.s32 s15, $0x2;
	s15 =	sadd.s32 $0x400, s15;
	[tilespmem:s13+$0x2290] =	vst v5;
	v5 =	vld [tilespmem:s13+$0xE0]  }
0x36: {  	v6 =	vld [tilespmem:s14+$0xF0];
	[tilespmem:s13+$0x22A0] =	vst v1  }
0x37: {  	v1 =	vld [tilespmem:s14+$0x0];
	[tilespmem:s13+$0x22B0] =	vst v2  }
0x38: {  	v2 =	vld [tilespmem:s14+$0x10];
	[tilespmem:s13+$0x22C0] =	vst v3  }
0x39: {  	v3 =	vld [tilespmem:s14+$0x20];
	[tilespmem:s13+$0x22D0] =	vst v4  }
0x3a: {  	v4 =	vld [tilespmem:s14+$0x30];
	[tilespmem:s13+$0x22E0] =	vst v5  }
0x3b: {  	v5 =	vld [tilespmem:s14+$0x40];
	[tilespmem:s14+$0x22F0] =	vst v6  }
0x3c: {  	[tilespmem:s14+$0x2200] =	vst v1;
	v1 =	vld [tilespmem:s14+$0x50]  }
0x3d: {  	[tilespmem:s14+$0x2210] =	vst v2;
	v2 =	vld [tilespmem:s14+$0x60]  }
0x3e: {  	[tilespmem:s14+$0x2220] =	vst v3;
	v3 =	vld [tilespmem:s14+$0x70]  }
0x3f: {  	[tilespmem:s14+$0x2230] =	vst v4;
	v4 =	vld [tilespmem:s14+$0x80]  }
0x40: {  	[tilespmem:s14+$0x2240] =	vst v5;
	v5 =	vld [tilespmem:s14+$0x90]  }
0x41: {  	[tilespmem:s14+$0x2250] =	vst v1;
	v1 =	vld [tilespmem:s14+$0xA0]  }
0x42: {  	[tilespmem:s14+$0x2260] =	vst v2;
	v2 =	vld [tilespmem:s14+$0xB0]  }
0x43: {  	[tilespmem:s14+$0x2270] =	vst v3;
	v3 =	vld [tilespmem:s14+$0xC0]  }
0x44: {  	[tilespmem:s14+$0x2280] =	vst v4;
	v4 =	vld [tilespmem:s14+$0xD0]  }
0x45: {  	[tilespmem:s14+$0x2290] =	vst v5;
	v5 =	vld [tilespmem:s14+$0xE0]  }
0x46: {  	[tilespmem:s14+$0x22A0] =	vst v1  }
0x47: {  	[tilespmem:s14+$0x22B0] =	vst v2  }
0x48: {  	[tilespmem:s14+$0x22C0] =	vst v3  }
0x49: {  	vm0 =	vgt.s32 v0, $0x1;
	[tilespmem:s14+$0x22D0] =	vst v4  }
0x4a: {  	s13 =	simm.s32 $0x0;
	v1 =	vimm.s32 $0x0;
	v2 =	vnsel vm0, $0x1, v0;
	v3 =	vimm.s32 $0x40000000;
	[tilespmem:s14+$0x22E0] =	vst v5  }
.LBB2_4:
0x4b: {  	s14 =	simm.s32 $0x0  }
0x4c: {  	v7 =	vld [tilespmem:s14+$0x2280]  }
0x4d: {  	v5 =	vld [tilespmem:s14+$0x22C0]  }
0x4e: {  	v6 =	vld [tilespmem:s14+$0x22A0]  }
0x4f: {  	v9 =	vld [tilespmem:s14+$0x22B0]  }
0x50: {  	v10 =	vld [tilespmem:s14+$0x22F0]  }
0x51: {  	v8 =	vld [tilespmem:s14+$0x2250]  }
0x52: {  	v11 =	vld [tilespmem:s14+$0x2270]  }
0x53: {  	v14 =	vld [tilespmem:s14+$0x2230]  }
0x54: {  	v13 =	vld [tilespmem:s14+$0x2260]  }
0x55: {  	v4 =	vor.u32 v1, v3;
	v12 =	vld [tilespmem:s14+$0x2200]  }
0x56: {  	v19 =	vimm.s32 $0x0;
	v17 =	vld [tilespmem:s14+$0x2220];
	vm1 =	vgt.s32 v6, v4;
	vm2 =	vgt.s32 v8, v4  }
0x57: {  	v16 =	vld [tilespmem:s14+$0x2290];
	vm0 =	vgt.s32 v5, v4;
	v6 =	vmpcnt.ones.xlane vm1;
	v8 =	vmpcnt.ones.xlane vm2  }
0x58: {  	v15 =	vld [tilespmem:s14+$0x22E0];
	vm1 =	vgt.s32 v11, v4;
	v5 =	vmpcnt.ones.xlane vm0;
	vm2 =	vgt.s32 v14, v4  }
0x59: {  	v18 =	vld [tilespmem:s14+$0x2210];
	vm0 =	vgt.s32 v9, v4;
	v14 =	vimm.s32 $0x0;
	v9 =	vimm.s32 $0x0  }
0x5a: {  	s15 =	simm.s32 $0x400;
	v11 =	vld [tilespmem:s14+$0x22D0];
	v20 =	vmpcnt.ones.xlane vm2;
	vm2 =	vgt.s32 v10, v4;
	v10 =	vimm.s32 $0x0  }
.LBB2_5:
0x5b: {  	p0 =	sne.s32 s15, $0x8400;
	v21 =	vld [tilespmem:s14+$0x2240];
	s14 =	sshra.s32 s15, $0x2;
	s15 =	sadd.s32 $0x400, s15;
	vm3 =	vgt.s32 v13, v4;
	v13 =	vmpcnt.ones.xlane vm1;
	v22 =	vmpcnt.ones.xlane vm2  }
0x5c: {  	vm1 =	vgt.s32 v17, v4;
	vm2 =	vgt.s32 v7, v4;
	v17 =	vadd.s32 v19, v20;
	v7 =	vld [tilespmem:s14+$0x2280]  }
0x5d: {  	v20 =	vmpcnt.ones.xlane vm1;
	v23 =	vmpcnt.ones.xlane vm2;
	vm1 =	vgt.s32 v16, v4;
	v19 =	vld [tilespmem:s14+$0x22C0]  }
0x5e: {  	v25 =	vmpcnt.ones.xlane vm0;
	vm2 =	vgt.s32 v12, v4;
	v24 =	vmpcnt.ones.xlane vm1;
	v16 =	vld [tilespmem:s14+$0x22A0]  }
0x5f: {  	v17 =	vadd.s32 v13, v17;
	v12 =	vadd.s32 v14, v20;
	v14 =	vmpcnt.ones.xlane vm3;
	v26 =	vld [tilespmem:s14+$0x22B0]  }
0x60: {  	vm3 =	vgt.s32 v15, v4;
	vm0 =	vgt.s32 v18, v4;
	v27 =	vld [tilespmem:s14+$0x22F0];
	vm1 =	vgt.s32 v21, v4  }
0x61: {  	v12 =	vadd.s32 v14, v12;
	v14 =	vmpcnt.ones.xlane vm3;
	v15 =	vld [tilespmem:s14+$0x2250];
	v18 =	vmpcnt.ones.xlane vm1  }
0x62: {  	v13 =	vld [tilespmem:s14+$0x2260];
	vm3 =	vgt.s32 v19, v4;
	v19 =	vmpcnt.ones.xlane vm0;
	vm0 =	vgt.s32 v11, v4  }
0x63: {  	v20 =	vmpcnt.ones.xlane vm2;
	v6 =	vadd.s32 v6, v12;
	v11 =	vld [tilespmem:s14+$0x2270];
	vm1 =	vgt.s32 v16, v4  }
0x64: {  	v14 =	vadd.s32 v14, v6;
	v28 =	vmpcnt.ones.xlane vm0;
	v21 =	vld [tilespmem:s14+$0x2230];
	v10 =	vadd.s32 v10, v19  }
0x65: {  	v6 =	vmpcnt.ones.xlane vm1;
	v12 =	vld [tilespmem:s14+$0x2200];
	v8 =	vadd.s32 v8, v10;
	v10 =	vadd.s32 v25, v17  }
.Ltmp1:
0x66: {  	v17 =	vld [tilespmem:s14+$0x2220];
	vm0 =	vgt.s32 v15, v4;
	v15 =	vadd.s32 v24, v8;
	v19 =	vadd.s32 v22, v10;
	(pc) =	sbr.rel @p0 .LBB2_5-.Ltmp1, $4  }
0x67: {  	v9 =	vadd.s32 v9, v20;
	v8 =	vmpcnt.ones.xlane vm0;
	v16 =	vld [tilespmem:s14+$0x2290];
	v10 =	vadd.s32 v28, v15  }
0x68: {  	v9 =	vadd.s32 v18, v9;
	v22 =	vmpcnt.ones.xlane vm3;
	vm1 =	vgt.s32 v11, v4;
	v11 =	vld [tilespmem:s14+$0x22D0]  }
0x69: {  	v9 =	vadd.s32 v23, v9;
	vm0 =	vgt.s32 v26, v4;
	vm2 =	vgt.s32 v21, v4;
	v15 =	vld [tilespmem:s14+$0x22E0]  }
0x6a: {  	v9 =	vadd.s32 v5, v9;
	v5 =	vmovc v22;
	v18 =	vld [tilespmem:s14+$0x2210];
	v20 =	vmpcnt.ones.xlane vm2;
	vm2 =	vgt.s32 v27, v4  }
0x6b: {  	vm3 =	vgt.s32 v13, v4  }
0x6c: {  	v50 =	vld [tilespmem:s14+$0x2240];
	v21 =	vmpcnt.ones.xlane vm1;
	v22 =	vmpcnt.ones.xlane vm2;
	vm7 =	vgt.s32 v17, v4  }
0x6d: {  	vm8 =	vgt.s32 v7, v4;
	vm10 =	vgt.s32 v12, v4;
	v55 =	vmpcnt.ones.xlane vm0  }
0x6e: {  	v51 =	vadd.s32 v19, v20;
	v52 =	vmpcnt.ones.xlane vm7;
	v53 =	vmpcnt.ones.xlane vm8  }
0x6f: {  	vm9 =	vgt.s32 v16, v4;
	v56 =	vmpcnt.ones.xlane vm3;
	v58 =	vmpcnt.ones.xlane vm10  }
0x70: {  	v54 =	vmpcnt.ones.xlane vm9;
	v17 =	vadd.s32 v21, v51;
	vm11 =	vgt.s32 v18, v4  }
0x71: {  	vm14 =	vgt.s32 v11, v4;
	vm12 =	vgt.s32 v50, v4;
	v57 =	vmpcnt.ones.xlane vm11  }
0x72: {  	v7 =	vadd.s32 v14, v52;
	vm13 =	vgt.s32 v15, v4;
	v59 =	vmpcnt.ones.xlane vm12  }
0x73: {  	v9 =	vadd.s32 v9, v58;
	v11 =	vmpcnt.ones.xlane vm14;
	v10 =	vadd.s32 v10, v57  }
0x74: {  	v7 =	vadd.s32 v56, v7;
	v8 =	vadd.s32 v8, v10;
	v9 =	vadd.s32 v59, v9  }
0x75: {  	s13 =	sadd.s32 $0x1, s13;
	v60 =	vmpcnt.ones.xlane vm13;
	v8 =	vadd.s32 v54, v8;
	v9 =	vadd.s32 v53, v9  }
0x76: {  	p0 =	sne.s32 s13, $0x18;
	v6 =	vadd.s32 v6, v7;
	v61 =	vadd.s32 v11, v8;
	v5 =	vadd.s32 v5, v9  }
.Ltmp2:
0x77: {  	v62 =	vadd.s32 v55, v17;
	v6 =	vadd.s32 v60, v6;
	v5 =	vadd.s32 v5, v61;
	(pc) =	sbr.rel @p0 .LBB2_4-.Ltmp2, $4  }
0x78: {  	v63 =	vadd.s32 v22, v62;
	v5 =	vadd.s32 v6, v5  }
0x79: {  	v5 =	vadd.s32 v63, v5  }
0x7a: {  	vm15 =	vlt.s32 v5, v2  }
0x7b: {  	v3 =	vshrl.u32 v3, $0x1;
	v1 =	vsel vm15, v1, v4  }
0x7c: {  	s13 =	simm.s32 $0x0  }
0x7d: {  	v4 =	vld [tilespmem:s13+$0xC0]  }
0x7e: {  	v5 =	vld [tilespmem:s13+$0xD0]  }
0x7f: {  	v9 =	vld [tilespmem:s13+$0xE0]  }
0x80: {  	v2 =	vld [tilespmem:s13+$0xF0]  }
0x81: {  	v10 =	vld [tilespmem:s13+$0x80]  }
0x82: {  	v11 =	vld [tilespmem:s13+$0x90]  }
0x83: {  	v6 =	vld [tilespmem:s13+$0x22F0]  }
0x84: {  	v7 =	vld [tilespmem:s13+$0x22E0]  }
0x85: {  	v8 =	vld [tilespmem:s13+$0x22D0]  }
0x86: {  	v14 =	vld [tilespmem:s13+$0x22C0]  }
0x87: {  	v17 =	vld [tilespmem:s13+$0x22B0]  }
0x88: {  	v23 =	vld [tilespmem:s13+$0x22A0]  }
0x89: {  	v24 =	vld [tilespmem:s13+$0x2290]  }
0x8a: {  	v25 =	vld [tilespmem:s13+$0x2280]  }
0x8b: {  	v13 =	vld [tilespmem:s13+$0x2270]  }
0x8c: {  	v16 =	vld [tilespmem:s13+$0x2260]  }
0x8d: {  	v20 =	vld [tilespmem:s13+$0x2250]  }
0x8e: {  	v15 =	vld [tilespmem:s13+$0x2240]  }
0x8f: {  	v18 =	vld [tilespmem:s13+$0x2230]  }
0x90: {  	v3 =	vimm.f32 $0.0e+00;
	v21 =	vld [tilespmem:s13+$0x2220]  }
0x91: {  	v12 =	vimm.s32 $0x0;
	v19 =	vld [tilespmem:s13+$0x2210];
	vm6 =	vgt.s32 v7, v1;
	vm3 =	vgt.s32 v6, v1  }
0x92: {  	v22 =	vld [tilespmem:s13+$0x2200];
	vm4 =	vgt.s32 v17, v1;
	vm5 =	vgt.s32 v14, v1;
	vm7 =	vgt.s32 v8, v1  }
0x93: {  	v14 =	vld [tilespmem:s13+$0xA0];
	vm2 =	vgt.s32 v25, v1;
	vm1 =	vgt.s32 v24, v1;
	vm0 =	vgt.s32 v23, v1  }
0x94: {  	s14 =	simm.s32 $0x400;
	v17 =	vld [tilespmem:s13+$0xB0];
	v8 =	vimm.f32 $0.0e+00;
	v7 =	vimm.f32 $0.0e+00;
	v6 =	vimm.f32 $0.0e+00  }
.LBB2_8:
0x95: {  	p0 =	sne.s32 s14, $0x8400;
	v23 =	vld [tilespmem:s13+$0x40];
	vm12 =	vgt.s32 v20, v1;
	vm11 =	vgt.s32 v16, v1;
	vm9 =	vgt.s32 v13, v1  }
0x96: {  	vm10 =	vgt.s32 v21, v1;
	vm8 =	vgt.s32 v18, v1;
	vm15 =	vgt.s32 v15, v1;
	v13 =	vld [tilespmem:s13+$0x50]  }
0x97: {  	v16 =	vnsel vm5, $0x0, v4;
	vm13 =	vgt.s32 v19, v1;
	vm14 =	vgt.s32 v22, v1;
	v15 =	vld [tilespmem:s13+$0x60]  }
0x98: {  	s15 =	sshra.s32 s14, $0x2;
	v20 =	vnsel vm6, $0x0, v9;
	v21 =	vnsel vm3, $0x0, v2;
	v19 =	vnsel vm7, $0x0, v5;
	v18 =	vld [tilespmem:s13+$0x70]  }
0x99: {  	v24 =	vnsel vm1, $0x0, v11;
	v25 =	vmpcnt.ones.xlane vm3;
	v22 =	vnsel vm2, $0x0, v10;
	v4 =	vld [tilespmem:s15+$0xC0]  }
0x9a: {  	v26 =	vmpcnt.ones.xlane vm6;
	v14 =	vnsel vm0, $0x0, v14;
	v17 =	vnsel vm4, $0x0, v17;
	v5 =	vld [tilespmem:s15+$0xD0]  }
0x9b: {  	v27 =	vmpcnt.ones.xlane vm7;
	v2 =	vmpcnt.ones.xlane vm14;
	v23 =	vnsel vm15, $0x0, v23;
	v10 =	vld [tilespmem:s13+$0x0]  }
0x9c: {  	v9 =	vmpcnt.ones.xlane vm13;
	v13 =	vnsel vm12, $0x0, v13;
	v11 =	vld [tilespmem:s13+$0x10];
	v15 =	vnsel vm11, $0x0, v15  }
0x9d: {  	v28 =	vmpcnt.ones.xlane vm10;
	v2 =	vadd.s32 v12, v2;
	v12 =	vld [tilespmem:s13+$0x20];
	v18 =	vnsel vm9, $0x0, v18  }
0x9e: {  	v31 =	vmpcnt.ones.xlane vm5;
	v30 =	vmpcnt.ones.xlane vm8;
	v2 =	vadd.s32 v9, v2;
	v29 =	vld [tilespmem:s13+$0x30];
	s13 =	smov.u32 s15  }
0x9f: {  	v33 =	vmpcnt.ones.xlane vm4;
	v32 =	vmpcnt.ones.xlane vm15;
	v28 =	vadd.s32 v28, v2;
	v9 =	vld [tilespmem:s13+$0xE0]  }
0xa0: {  	v28 =	vadd.s32 v30, v28;
	v30 =	vmpcnt.ones.xlane vm12;
	v2 =	vld [tilespmem:s13+$0xF0];
	v34 =	vnsel vm14, $0x0, v10  }
0xa1: {  	v28 =	vadd.s32 v32, v28;
	v32 =	vmpcnt.ones.xlane vm11;
	v10 =	vld [tilespmem:s13+$0x80];
	v35 =	vnsel vm13, $0x0, v11  }
0xa2: {  	v28 =	vadd.s32 v30, v28;
	v30 =	vmpcnt.ones.xlane vm9;
	v11 =	vld [tilespmem:s13+$0x90];
	v12 =	vnsel vm10, $0x0, v12  }
0xa3: {  	v28 =	vadd.s32 v32, v28;
	v32 =	vmpcnt.ones.xlane vm2;
	v36 =	vld [tilespmem:s13+$0x22F0];
	v29 =	vnsel vm8, $0x0, v29  }
0xa4: {  	v38 =	vmpcnt.ones.xlane vm0;
	v28 =	vadd.s32 v30, v28;
	v30 =	vmpcnt.ones.xlane vm1;
	v37 =	vld [tilespmem:s13+$0x22E0]  }
0xa5: {  	v3 =	vadd.f32 v34, v3;
	v8 =	vadd.f32 v35, v8;
	v28 =	vadd.s32 v32, v28;
	v39 =	vld [tilespmem:s13+$0x22D0]  }
0xa6: {  	v7 =	vadd.f32 v12, v7;
	v12 =	vadd.s32 v30, v28;
	v6 =	vadd.f32 v29, v6;
	v32 =	vld [tilespmem:s13+$0x22C0]  }
0xa7: {  	v3 =	vadd.f32 v23, v3;
	v8 =	vadd.f32 v13, v8;
	v12 =	vadd.s32 v38, v12;
	v28 =	vld [tilespmem:s13+$0x22B0]  }
0xa8: {  	v7 =	vadd.f32 v15, v7;
	v12 =	vadd.s32 v33, v12;
	v6 =	vadd.f32 v18, v6;
	v23 =	vld [tilespmem:s13+$0x22A0]  }
0xa9: {  	v3 =	vadd.f32 v22, v3;
	v8 =	vadd.f32 v24, v8;
	v12 =	vadd.s32 v31, v12;
	v29 =	vld [tilespmem:s13+$0x2290]  }
0xaa: {  	v7 =	vadd.f32 v14, v7;
	v12 =	vadd.s32 v27, v12;
	v6 =	vadd.f32 v17, v6;
	v24 =	vld [tilespmem:s13+$0x2280]  }
0xab: {  	v3 =	vadd.f32 v16, v3;
	v8 =	vadd.f32 v19, v8;
	v12 =	vadd.s32 v26, v12;
	v13 =	vld [tilespmem:s13+$0x2270]  }
0xac: {  	v7 =	vadd.f32 v20, v7;
	v12 =	vadd.s32 v25, v12;
	v6 =	vadd.f32 v21, v6;
	v16 =	vld [tilespmem:s13+$0x2260]  }
0xad: {  	v20 =	vld [tilespmem:s13+$0x2250]  }
0xae: {  	v15 =	vld [tilespmem:s13+$0x2240]  }
0xaf: {  	v18 =	vld [tilespmem:s13+$0x2230]  }
.Ltmp3:
0xb0: {  	v21 =	vld [tilespmem:s13+$0x2220];
	(pc) =	sbr.rel @p0 .LBB2_8-.Ltmp3, $4  }
0xb1: {  	v19 =	vld [tilespmem:s13+$0x2210]  }
0xb2: {  	vm3 =	vgt.s32 v36, v1;
	vm6 =	vgt.s32 v37, v1;
	v22 =	vld [tilespmem:s13+$0x2200]  }
0xb3: {  	vm7 =	vgt.s32 v39, v1;
	vm5 =	vgt.s32 v32, v1;
	vm4 =	vgt.s32 v28, v1;
	v14 =	vld [tilespmem:s13+$0xA0]  }
0xb4: {  	s14 =	sadd.s32 $0x400, s14;
	vm0 =	vgt.s32 v23, v1;
	vm1 =	vgt.s32 v29, v1;
	vm2 =	vgt.s32 v24, v1;
	v17 =	vld [tilespmem:s13+$0xB0]  }
0xb5: {  	vm14 =	vgt.s32 v20, v1  }
0xb6: {  	vm13 =	vgt.s32 v16, v1;
	vm11 =	vgt.s32 v13, v1;
	vm9 =	vgt.s32 v21, v1  }
0xb7: {  	vm8 =	vgt.s32 v18, v1;
	vm15 =	vgt.s32 v15, v1;
	v4 =	vnsel vm5, $0x0, v4  }
0xb8: {  	v5 =	vnsel vm7, $0x0, v5;
	v9 =	vnsel vm6, $0x0, v9;
	v10 =	vnsel vm2, $0x0, v10  }
0xb9: {  	v45 =	vmpcnt.ones.xlane vm3;
	v48 =	vmpcnt.ones.xlane vm6;
	vm12 =	vgt.s32 v22, v1  }
0xba: {  	v42 =	vld [tilespmem:s13+$0x40];
	v23 =	vmpcnt.ones.xlane vm7;
	vm10 =	vgt.s32 v19, v1;
	v46 =	vmpcnt.ones.xlane vm12  }
0xbb: {  	v43 =	vld [tilespmem:s13+$0x50];
	v11 =	vnsel vm1, $0x0, v11;
	v28 =	vmpcnt.ones.xlane vm5;
	v49 =	vmpcnt.ones.xlane vm10  }
0xbc: {  	v44 =	vld [tilespmem:s13+$0x60];
	v29 =	vmpcnt.ones.xlane vm4;
	v50 =	vmpcnt.ones.xlane vm9;
	v12 =	vadd.s32 v12, v46  }
0xbd: {  	v47 =	vld [tilespmem:s13+$0x70];
	v56 =	vmpcnt.ones.xlane vm2;
	v51 =	vmpcnt.ones.xlane vm8;
	v12 =	vadd.s32 v49, v12  }
0xbe: {  	v24 =	vld [tilespmem:s13+$0x0];
	v57 =	vmpcnt.ones.xlane vm1;
	v52 =	vmpcnt.ones.xlane vm15;
	v12 =	vadd.s32 v50, v12  }
0xbf: {  	v25 =	vld [tilespmem:s13+$0x10];
	v30 =	vmpcnt.ones.xlane vm0;
	v53 =	vmpcnt.ones.xlane vm14;
	v12 =	vadd.s32 v51, v12  }
0xc0: {  	v26 =	vld [tilespmem:s13+$0x20];
	v0 =	vcvt.s32.f32 v0;
	v54 =	vmpcnt.ones.xlane vm13;
	v12 =	vadd.s32 v52, v12  }
0xc1: {  	v55 =	vmpcnt.ones.xlane vm11;
	v14 =	vnsel vm0, $0x0, v14;
	v12 =	vadd.s32 v53, v12  }
0xc2: {  	v27 =	vld [tilespmem:s13+$0x30];
	v17 =	vnsel vm4, $0x0, v17;
	v13 =	vnsel vm15, $0x0, v42;
	v12 =	vadd.s32 v54, v12  }
0xc3: {  	v15 =	vnsel vm14, $0x0, v43;
	v16 =	vnsel vm13, $0x0, v44;
	v12 =	vadd.s32 v55, v12  }
0xc4: {  	v20 =	vnsel vm11, $0x0, v47;
	v24 =	vnsel vm12, $0x0, v24;
	v12 =	vadd.s32 v56, v12  }
0xc5: {  	v25 =	vnsel vm10, $0x0, v25;
	v58 =	vnsel vm9, $0x0, v26;
	v12 =	vadd.s32 v57, v12  }
0xc6: {  	v3 =	vadd.f32 v24, v3;
	v8 =	vadd.f32 v25, v8;
	v12 =	vadd.s32 v30, v12  }
0xc7: {  	v59 =	vnsel vm8, $0x0, v27;
	v7 =	vadd.f32 v58, v7;
	v12 =	vadd.s32 v29, v12  }
0xc8: {  	v3 =	vadd.f32 v13, v3;
	v8 =	vadd.f32 v15, v8;
	v12 =	vadd.s32 v28, v12  }
0xc9: {  	v6 =	vadd.f32 v59, v6;
	v7 =	vadd.f32 v16, v7;
	v60 =	vadd.s32 v23, v12  }
0xca: {  	v3 =	vadd.f32 v10, v3;
	v8 =	vadd.f32 v11, v8;
	v10 =	vadd.s32 v48, v60  }
0xcb: {  	v6 =	vadd.f32 v20, v6;
	v7 =	vadd.f32 v14, v7;
	v61 =	vadd.s32 v45, v10  }
0xcc: {  	v3 =	vadd.f32 v4, v3;
	v5 =	vadd.f32 v5, v8;
	v4 =	vcvt.s32.f32 v61  }
0xcd: {  	v6 =	vadd.f32 v17, v6;
	v7 =	vadd.f32 v9, v7  }
0xce: {  	v3 =	vadd.f32 v5, v3;
	v0 =	vsub.f32 v0, v4  }
0xcf: {  	v2 =	vnsel vm3, $0x0, v2;
	v62 =	vadd.s32 $0x1, v1  }
0xd0: {  	v2 =	vadd.f32 v2, v6;
	v3 =	vadd.f32 v7, v3;
	v0 =	vmul.f32 v62, v0;
	_ =	sdelay $0x1  }
0xd1: {  	v63 =	vadd.f32 v2, v3;
	v0 =	vmul.f32 $6.250000000e-02, v0;
	_ =	sdelay $0x1  }
0xd2: {  	s12 =	sadd.s32 $0x1, s12;
	v0 =	vadd.f32 v0, v63  }
0xd3: {  	p0 =	sne.s32 s12, s6  }
.Ltmp4:
0xd4: {  	[tilespmem:$0x4480] =	vst v0;
	(pc) =	sbr.rel @p0 .LBB2_1-.Ltmp4, $4  }
0xd5: {  	[hbm4b:s5+s2] =	stream.linear.scatter [tilespmem:s11], [sflag:$0x1], $0x80, $0x38;
	[tilespmem:$0x4500] =	vst v63  }
0xd6: {  	_ =	swait.ge [sflag:s9], $0x80  }
0xd7: {  	[sflag:s9] =	ssyncset.done $0x0  }
0xd8: {  	[sflag:s9] =	ssyncadd.s32 $0xFFFFFF80  }
0xd9: {  	_ =	sfence.sel $0x180000  }
0xda: {  	[bflag:$0x0] =	sbarrier.arrive $0xFFFF  }
0xdb: {  	p0 =	sne.s32 s1, $0x0;
	_ =	strace $0x90000047  }
0xdc: {  	s0 =	sadd.s32 @!p0 $0x100000, s0;
	[bflag:$0x2] =	sbarrier.arrive $0xFFFF  }
0xdd: {  	[sflag:s0] =	ssyncadd.tile.s32 @!p0 $0x1;
	_ =	shalt  }
.Lfunc_end2:
_tile_overlayer_lowered:
.L_overlay_start_2:
0xde: {  	(tag) =	ssettag $0x2  }
0xdf: {  	s0 =	rddreg [dreg:$0x0];
	s2 =	stileid.u32  }
0xe0: {  	s1 =	rddreg [dreg:$0x1];
	p0 =	sne.s32 s2, $0x0  }
0xe1: {  	s3 =	rddreg [dreg:$0x2];
	[bflag:$0x3] =	sbarrier.arrive $0xFFFF;
	s2 =	simm.s32 @!p0 $0x1C01  }
0xe2: {  	[timem:s3], [sflag:s2] =	dma.local @!p0 [hbm:s0], s1  }
0xe3: {  	s0 =	simm.s32 @!p0 $0x1  }
0xe4: {  	_ =	swait.ge @!p0 [sflag:s0], s1  }
0xe5: {  	s1 =	ssub.s32 @!p0 $0x0, s1;
	[sflag:s0] =	ssyncset.done @!p0 $0x0  }
0xe6: {  	[sflag:s0] =	ssyncadd.s32 @!p0 s1  }
0xe7: {  	[bflag:$0x3] =	sbarrier.arrive $0xFFFF  }
0xe8: {  	_ =	shalt  }

</sc_bundles>
